<compile_context>
chip_gen: v7x
topology: tpu7x:2x2x1
jax: 0.10.2.dev20260603
libtpu: 0.0.44.dev20260713+nightly
codegen_flags: <defaults>
</compile_context>

<pallas_src>
import functools
import jax
import jax.numpy as jnp
from jax import lax
from jax.experimental import pallas as pl
from jax.experimental.pallas import tpu as pltpu
from jax.experimental.pallas import tpu_sc as plsc


def _sc_build_tile(col_w, row_w, h, w, dc, dr, nc, ns):
    d = dc + dr
    mesh = plsc.VectorSubcoreMesh(
        core_axis_name="c", subcore_axis_name="s", num_cores=nc, num_subcores=ns
    )

    @functools.partial(
        pl.kernel,
        mesh=mesh,
        out_type=jax.ShapeDtypeStruct((h, w, d), jnp.float32),
        scratch_types=[
            pltpu.VMEM((w, dc), jnp.float32),
            pltpu.VMEM((1, dr), jnp.float32),
            pltpu.VMEM((w, d), jnp.float32),
            pltpu.SemaphoreType.DMA,
        ],
    )
    def sc_k(col_hbm, row_hbm, tile_hbm, col_v, row_v, plane_v, sem):
        wid = lax.axis_index("s") * nc + lax.axis_index("c")
        pltpu.sync_copy(col_hbm, col_v)
        pltpu.sync_copy(row_hbm.at[pl.ds(wid, 1)], row_v)

        def build_row(iw, carry):
            for j in range(dc // 16):
                plane_v[iw, pl.ds(j * 16, 16)] = col_v[iw, pl.ds(j * 16, 16)]
            for j in range(dr // 16):
                plane_v[iw, pl.ds(dc + j * 16, 16)] = row_v[0, pl.ds(j * 16, 16)]
            return carry

        lax.fori_loop(0, w, build_row, 0)
        pltpu.async_copy(plane_v, tile_hbm.at[wid], sem).wait()

    return sc_k(col_w, row_w)


def kernel(pixel_values, row_weight, col_weight):
    if pixel_values.ndim != 4:
        raise ValueError('pixel_values must be a 4D tensor')
    b, h, w, _ = pixel_values.shape
    dr = row_weight.shape[1]
    dc = col_weight.shape[1]
    d = dc + dr

    row_w = row_weight[:h]
    col_w = col_weight[:w]

    nc, ns = 2, 16
    assert h == nc * ns

    tile = _sc_build_tile(col_w, row_w, h, w, dc, dr, nc, ns)

    def tc_body(tile_ref, out_hbm, sem):
        copies = [
            pltpu.make_async_copy(tile_ref, out_hbm.at[ib], sem) for ib in range(b)
        ]
        for c in copies:
            c.start()
        for c in copies:
            c.wait()

    out = pl.pallas_call(
        tc_body,
        in_specs=[pl.BlockSpec(memory_space=pltpu.VMEM)],
        out_specs=pl.BlockSpec(memory_space=pl.ANY),
        out_shape=jax.ShapeDtypeStruct((b, h, w, d), jnp.float32),
        scratch_shapes=[pltpu.SemaphoreType.DMA],
    )(tile)
    return out

# --- scband reference (transcript-rebuilt; emitter-appended) ---
"""Pipeline reference for scband-learned-absolute-position-embedding2-d-17497696764133 (READ-ONLY COPY).

The authoritative reference and input builder live on the scoring server;
editing this copy changes nothing except your own understanding.
"""

import jax, jax.numpy as jnp
import numpy as np


def setup_inputs(seed: int = 0) -> dict:
    key = jax.random.key(seed)
    k1, k2, k3 = jax.random.split(key, 3)
    pixel_values = jax.random.normal(k1, (16, 32, 32, 768), dtype=jnp.float32)
    embedding_dim = 768
    num_pos = 50
    row_weight = jax.random.normal(k2, (num_pos, embedding_dim // 2), dtype=jnp.float32) * 0.02
    col_weight = jax.random.normal(k3, (num_pos, embedding_dim - embedding_dim // 2), dtype=jnp.float32) * 0.02
    return {"pixel_values": pixel_values, "row_weight": row_weight, "col_weight": col_weight}


def reference(pixel_values, row_weight, col_weight):
    if pixel_values.ndim != 4:
        raise ValueError('pixel_values must be a 4D tensor')
    b = pixel_values.shape[0]
    height = pixel_values.shape[1]
    width = pixel_values.shape[2]
    width_values = jnp.arange(width)
    height_values = jnp.arange(height)
    # embedding lookups (gather rows from learned tables)
    x_emb = jnp.take(col_weight, width_values, axis=0)   # (W, D/2)
    y_emb = jnp.take(row_weight, height_values, axis=0)  # (H, D/2)
    x_rep = jnp.tile(x_emb[None, :, :], (height, 1, 1))  # (H, W, D/2)
    y_rep = jnp.tile(y_emb[:, None, :], (1, width, 1))   # (H, W, D/2)
    pos = jnp.concatenate([x_rep, y_rep], axis=-1)       # (H, W, D)
    pos = jnp.transpose(pos, (2, 0, 1))                  # (D, H, W)
    pos = pos[None, :, :, :]                             # (1, D, H, W)
    pos = jnp.tile(pos, (b, 1, 1, 1))                    # (B, D, H, W)
    pos = jnp.transpose(pos, (0, 2, 3, 1))               # (B, H, W, D)
    return pos

if __name__ == "__main__":
    import jax
    _d = setup_inputs()
    print(jax.jit(kernel)(*tuple(_d.values())))

</pallas_src>

<mosaic_0001>
#map = affine_map<(d0, d1) -> (0, 0)>
#map1 = affine_map<(d0, d1) -> (0, 0, 0)>
module attributes {stable_mosaic.version = 14 : i64} {
  func.func @sc_k(%arg0: i32, %arg1: i32, %arg2: memref<32x384xf32, #tpu.memory_space<hbm>>, %arg3: memref<32x384xf32, #tpu.memory_space<hbm>>, %arg4: memref<32x32x768xf32, #tpu.memory_space<hbm>>, %arg5: memref<32x384xf32, #tpu.memory_space<vmem>>, %arg6: memref<1x384xf32, #tpu.memory_space<vmem>>, %arg7: memref<32x768xf32, #tpu.memory_space<vmem>>, %arg8: memref<!tpu.dma_semaphore, #tpu.memory_space<semaphore_mem>>) attributes {dimension_semantics = [#tpu.dimension_semantics<core_parallel>, #tpu.dimension_semantics<subcore_parallel>], iteration_bounds = array<i64: 2, 16>, scalar_prefetch = 0 : i64, scratch_operands = 4 : i64, tpu.core_type = #tpu.core_type<sc_vector_subcore>, window_params = [{transform_indices = #map}, {transform_indices = #map}, {transform_indices = #map1}]} {
    %mul3A = arith.constant 2 : i32
    %mul3A_0 = arith.muli %arg1, %mul3A : i32
    %add3A = arith.addi %mul3A_0, %arg0 : i32
    "tpu.region"() ({
      %run_scoped3A = tpu.sem_alloc : memref<!tpu.dma_semaphore, #tpu.memory_space<semaphore_mem>>
      tpu.enqueue_dma source(%arg2 : memref<32x384xf32, #tpu.memory_space<hbm>>) target(%arg5 : memref<32x384xf32, #tpu.memory_space<vmem>>) target_semaphore(%run_scoped3A : memref<!tpu.dma_semaphore, #tpu.memory_space<semaphore_mem>>)
      tpu.wait_dma2 semaphore(%run_scoped3A : memref<!tpu.dma_semaphore, #tpu.memory_space<semaphore_mem>>) src(%arg2 : memref<32x384xf32, #tpu.memory_space<hbm>>) dst(%arg5 : memref<32x384xf32, #tpu.memory_space<vmem>>)
      tpu.yield
    }) : () -> ()
    "tpu.region"() ({
      %run_scoped3A = tpu.sem_alloc : memref<!tpu.dma_semaphore, #tpu.memory_space<semaphore_mem>>
      %dma_start3A_20 = arith.constant 0 : i32
      %dma_start3A_21 = tpu.memref_slice %arg3[%add3A, %dma_start3A_20] : memref<32x384xf32, #tpu.memory_space<hbm>> -> memref<1x384xf32, #tpu.memory_space<hbm>>
      %dma_start3A_22 = arith.constant 0 : i32
      %dma_start3A_23 = tpu.memref_slice %arg3[%add3A, %dma_start3A_22] : memref<32x384xf32, #tpu.memory_space<hbm>> -> memref<1x384xf32, #tpu.memory_space<hbm>>
      tpu.enqueue_dma source(%dma_start3A_23 : memref<1x384xf32, #tpu.memory_space<hbm>>) target(%arg6 : memref<1x384xf32, #tpu.memory_space<vmem>>) target_semaphore(%run_scoped3A : memref<!tpu.dma_semaphore, #tpu.memory_space<semaphore_mem>>)
      %dma_wait3A_24 = arith.constant 0 : i32
      %dma_wait3A_25 = tpu.memref_slice %arg3[%add3A, %dma_wait3A_24] : memref<32x384xf32, #tpu.memory_space<hbm>> -> memref<1x384xf32, #tpu.memory_space<hbm>>
      %dma_wait3A_26 = arith.constant 0 : i32
      %dma_wait3A_27 = tpu.memref_slice %arg3[%add3A, %dma_wait3A_26] : memref<32x384xf32, #tpu.memory_space<hbm>> -> memref<1x384xf32, #tpu.memory_space<hbm>>
      tpu.wait_dma2 semaphore(%run_scoped3A : memref<!tpu.dma_semaphore, #tpu.memory_space<semaphore_mem>>) src(%dma_wait3A_27 : memref<1x384xf32, #tpu.memory_space<hbm>>) dst(%arg6 : memref<1x384xf32, #tpu.memory_space<vmem>>)
      tpu.yield
    }) : () -> ()
    %scan3A = arith.constant 0 : i32
    %scan3A_1 = arith.constant 0 : i32
    %scan3A_2 = arith.constant 32 : i32
    %scan3A_3 = arith.addi %scan3A_1, %scan3A_2 : i32
    %scan3A_4 = arith.constant 1 : i32
    scf.for %scan3A_20 = %scan3A_1 to %scan3A_3 step %scan3A_4  : i32 {
      %get3A = arith.index_cast %scan3A_20 : i32 to index
      %get3A_21 = arith.constant 0 : index
      %get3A_22 = tpu.vector_load %arg5[%get3A, %get3A_21] {strides = array<i32>} : memref<32x384xf32, #tpu.memory_space<vmem>>, vector<1x16xf32>,
      %get3A_23 = vector.shape_cast %get3A_22 : vector<1x16xf32> to vector<16xf32>
      %swap3A = arith.index_cast %scan3A_20 : i32 to index
      %swap3A_24 = arith.constant 0 : index
      %swap3A_25 = tpu.vector_load %arg7[%swap3A, %swap3A_24] {strides = array<i32>} : memref<32x768xf32, #tpu.memory_space<vmem>>, vector<1x16xf32>,
      %swap3A_26 = vector.shape_cast %swap3A_25 : vector<1x16xf32> to vector<16xf32>
      %swap3A_27 = vector.shape_cast %get3A_23 : vector<16xf32> to vector<1x16xf32>
      tpu.vector_store %arg7[%swap3A, %swap3A_24], %swap3A_27 {strides = array<i32>} : memref<32x768xf32, #tpu.memory_space<vmem>>, vector<1x16xf32>,
      %get3A_28 = arith.index_cast %scan3A_20 : i32 to index
      %get3A_29 = arith.constant 16 : index
      %get3A_30 = tpu.vector_load %arg5[%get3A_28, %get3A_29] {strides = array<i32>} : memref<32x384xf32, #tpu.memory_space<vmem>>, vector<1x16xf32>,
      %get3A_31 = vector.shape_cast %get3A_30 : vector<1x16xf32> to vector<16xf32>
      %swap3A_32 = arith.index_cast %scan3A_20 : i32 to index
      %swap3A_33 = arith.constant 16 : index
      %swap3A_34 = tpu.vector_load %arg7[%swap3A_32, %swap3A_33] {strides = array<i32>} : memref<32x768xf32, #tpu.memory_space<vmem>>, vector<1x16xf32>,
      %swap3A_35 = vector.shape_cast %swap3A_34 : vector<1x16xf32> to vector<16xf32>
      %swap3A_36 = vector.shape_cast %get3A_31 : vector<16xf32> to vector<1x16xf32>
      tpu.vector_store %arg7[%swap3A_32, %swap3A_33], %swap3A_36 {strides = array<i32>} : memref<32x768xf32, #tpu.memory_space<vmem>>, vector<1x16xf32>,
      %get3A_37 = arith.index_cast %scan3A_20 : i32 to index
      %get3A_38 = arith.constant 32 : index
      %get3A_39 = tpu.vector_load %arg5[%get3A_37, %get3A_38] {strides = array<i32>} : memref<32x384xf32, #tpu.memory_space<vmem>>, vector<1x16xf32>,
      %get3A_40 = vector.shape_cast %get3A_39 : vector<1x16xf32> to vector<16xf32>
      %swap3A_41 = arith.index_cast %scan3A_20 : i32 to index
      %swap3A_42 = arith.constant 32 : index
      %swap3A_43 = tpu.vector_load %arg7[%swap3A_41, %swap3A_42] {strides = array<i32>} : memref<32x768xf32, #tpu.memory_space<vmem>>, vector<1x16xf32>,
      %swap3A_44 = vector.shape_cast %swap3A_43 : vector<1x16xf32> to vector<16xf32>
      %swap3A_45 = vector.shape_cast %get3A_40 : vector<16xf32> to vector<1x16xf32>
      tpu.vector_store %arg7[%swap3A_41, %swap3A_42], %swap3A_45 {strides = array<i32>} : memref<32x768xf32, #tpu.memory_space<vmem>>, vector<1x16xf32>,
      %get3A_46 = arith.index_cast %scan3A_20 : i32 to index
      %get3A_47 = arith.constant 48 : index
      %get3A_48 = tpu.vector_load %arg5[%get3A_46, %get3A_47] {strides = array<i32>} : memref<32x384xf32, #tpu.memory_space<vmem>>, vector<1x16xf32>,
      %get3A_49 = vector.shape_cast %get3A_48 : vector<1x16xf32> to vector<16xf32>
      %swap3A_50 = arith.index_cast %scan3A_20 : i32 to index
      %swap3A_51 = arith.constant 48 : index
      %swap3A_52 = tpu.vector_load %arg7[%swap3A_50, %swap3A_51] {strides = array<i32>} : memref<32x768xf32, #tpu.memory_space<vmem>>, vector<1x16xf32>,
      %swap3A_53 = vector.shape_cast %swap3A_52 : vector<1x16xf32> to vector<16xf32>
      %swap3A_54 = vector.shape_cast %get3A_49 : vector<16xf32> to vector<1x16xf32>
      tpu.vector_store %arg7[%swap3A_50, %swap3A_51], %swap3A_54 {strides = array<i32>} : memref<32x768xf32, #tpu.memory_space<vmem>>, vector<1x16xf32>,
      %get3A_55 = arith.index_cast %scan3A_20 : i32 to index
      %get3A_56 = arith.constant 64 : index
      %get3A_57 = tpu.vector_load %arg5[%get3A_55, %get3A_56] {strides = array<i32>} : memref<32x384xf32, #tpu.memory_space<vmem>>, vector<1x16xf32>,
      %get3A_58 = vector.shape_cast %get3A_57 : vector<1x16xf32> to vector<16xf32>
      %swap3A_59 = arith.index_cast %scan3A_20 : i32 to index
      %swap3A_60 = arith.constant 64 : index
      %swap3A_61 = tpu.vector_load %arg7[%swap3A_59, %swap3A_60] {strides = array<i32>} : memref<32x768xf32, #tpu.memory_space<vmem>>, vector<1x16xf32>,
      %swap3A_62 = vector.shape_cast %swap3A_61 : vector<1x16xf32> to vector<16xf32>
      %swap3A_63 = vector.shape_cast %get3A_58 : vector<16xf32> to vector<1x16xf32>
      tpu.vector_store %arg7[%swap3A_59, %swap3A_60], %swap3A_63 {strides = array<i32>} : memref<32x768xf32, #tpu.memory_space<vmem>>, vector<1x16xf32>,
      %get3A_64 = arith.index_cast %scan3A_20 : i32 to index
      %get3A_65 = arith.constant 80 : index
      %get3A_66 = tpu.vector_load %arg5[%get3A_64, %get3A_65] {strides = array<i32>} : memref<32x384xf32, #tpu.memory_space<vmem>>, vector<1x16xf32>,
      %get3A_67 = vector.shape_cast %get3A_66 : vector<1x16xf32> to vector<16xf32>
      %swap3A_68 = arith.index_cast %scan3A_20 : i32 to index
      %swap3A_69 = arith.constant 80 : index
      %swap3A_70 = tpu.vector_load %arg7[%swap3A_68, %swap3A_69] {strides = array<i32>} : memref<32x768xf32, #tpu.memory_space<vmem>>, vector<1x16xf32>,
      %swap3A_71 = vector.shape_cast %swap3A_70 : vector<1x16xf32> to vector<16xf32>
      %swap3A_72 = vector.shape_cast %get3A_67 : vector<16xf32> to vector<1x16xf32>
      tpu.vector_store %arg7[%swap3A_68, %swap3A_69], %swap3A_72 {strides = array<i32>} : memref<32x768xf32, #tpu.memory_space<vmem>>, vector<1x16xf32>,
      %get3A_73 = arith.index_cast %scan3A_20 : i32 to index
      %get3A_74 = arith.constant 96 : index
      %get3A_75 = tpu.vector_load %arg5[%get3A_73, %get3A_74] {strides = array<i32>} : memref<32x384xf32, #tpu.memory_space<vmem>>, vector<1x16xf32>,
      %get3A_76 = vector.shape_cast %get3A_75 : vector<1x16xf32> to vector<16xf32>
      %swap3A_77 = arith.index_cast %scan3A_20 : i32 to index
      %swap3A_78 = arith.constant 96 : index
      %swap3A_79 = tpu.vector_load %arg7[%swap3A_77, %swap3A_78] {strides = array<i32>} : memref<32x768xf32, #tpu.memory_space<vmem>>, vector<1x16xf32>,
      %swap3A_80 = vector.shape_cast %swap3A_79 : vector<1x16xf32> to vector<16xf32>
      %swap3A_81 = vector.shape_cast %get3A_76 : vector<16xf32> to vector<1x16xf32>
      tpu.vector_store %arg7[%swap3A_77, %swap3A_78], %swap3A_81 {strides = array<i32>} : memref<32x768xf32, #tpu.memory_space<vmem>>, vector<1x16xf32>,
      %get3A_82 = arith.index_cast %scan3A_20 : i32 to index
      %get3A_83 = arith.constant 112 : index
      %get3A_84 = tpu.vector_load %arg5[%get3A_82, %get3A_83] {strides = array<i32>} : memref<32x384xf32, #tpu.memory_space<vmem>>, vector<1x16xf32>,
      %get3A_85 = vector.shape_cast %get3A_84 : vector<1x16xf32> to vector<16xf32>
      %swap3A_86 = arith.index_cast %scan3A_20 : i32 to index
      %swap3A_87 = arith.constant 112 : index
      %swap3A_88 = tpu.vector_load %arg7[%swap3A_86, %swap3A_87] {strides = array<i32>} : memref<32x768xf32, #tpu.memory_space<vmem>>, vector<1x16xf32>,
      %swap3A_89 = vector.shape_cast %swap3A_88 : vector<1x16xf32> to vector<16xf32>
      %swap3A_90 = vector.shape_cast %get3A_85 : vector<16xf32> to vector<1x16xf32>
      tpu.vector_store %arg7[%swap3A_86, %swap3A_87], %swap3A_90 {strides = array<i32>} : memref<32x768xf32, #tpu.memory_space<vmem>>, vector<1x16xf32>,
      %get3A_91 = arith.index_cast %scan3A_20 : i32 to index
      %get3A_92 = arith.constant 128 : index
      %get3A_93 = tpu.vector_load %arg5[%get3A_91, %get3A_92] {strides = array<i32>} : memref<32x384xf32, #tpu.memory_space<vmem>>, vector<1x16xf32>,
      %get3A_94 = vector.shape_cast %get3A_93 : vector<1x16xf32> to vector<16xf32>
      %swap3A_95 = arith.index_cast %scan3A_20 : i32 to index
      %swap3A_96 = arith.constant 128 : index
      %swap3A_97 = tpu.vector_load %arg7[%swap3A_95, %swap3A_96] {strides = array<i32>} : memref<32x768xf32, #tpu.memory_space<vmem>>, vector<1x16xf32>,
      %swap3A_98 = vector.shape_cast %swap3A_97 : vector<1x16xf32> to vector<16xf32>
      %swap3A_99 = vector.shape_cast %get3A_94 : vector<16xf32> to vector<1x16xf32>
      tpu.vector_store %arg7[%swap3A_95, %swap3A_96], %swap3A_99 {strides = array<i32>} : memref<32x768xf32, #tpu.memory_space<vmem>>, vector<1x16xf32>,
      %get3A_100 = arith.index_cast %scan3A_20 : i32 to index
      %get3A_101 = arith.constant 144 : index
      %get3A_102 = tpu.vector_load %arg5[%get3A_100, %get3A_101] {strides = array<i32>} : memref<32x384xf32, #tpu.memory_space<vmem>>, vector<1x16xf32>,
      %get3A_103 = vector.shape_cast %get3A_102 : vector<1x16xf32> to vector<16xf32>
      %swap3A_104 = arith.index_cast %scan3A_20 : i32 to index
      %swap3A_105 = arith.constant 144 : index
      %swap3A_106 = tpu.vector_load %arg7[%swap3A_104, %swap3A_105] {strides = array<i32>} : memref<32x768xf32, #tpu.memory_space<vmem>>, vector<1x16xf32>,
      %swap3A_107 = vector.shape_cast %swap3A_106 : vector<1x16xf32> to vector<16xf32>
      %swap3A_108 = vector.shape_cast %get3A_103 : vector<16xf32> to vector<1x16xf32>
      tpu.vector_store %arg7[%swap3A_104, %swap3A_105], %swap3A_108 {strides = array<i32>} : memref<32x768xf32, #tpu.memory_space<vmem>>, vector<1x16xf32>,
      %get3A_109 = arith.index_cast %scan3A_20 : i32 to index
      %get3A_110 = arith.constant 160 : index
      %get3A_111 = tpu.vector_load %arg5[%get3A_109, %get3A_110] {strides = array<i32>} : memref<32x384xf32, #tpu.memory_space<vmem>>, vector<1x16xf32>,
      %get3A_112 = vector.shape_cast %get3A_111 : vector<1x16xf32> to vector<16xf32>
      %swap3A_113 = arith.index_cast %scan3A_20 : i32 to index
      %swap3A_114 = arith.constant 160 : index
      %swap3A_115 = tpu.vector_load %arg7[%swap3A_113, %swap3A_114] {strides = array<i32>} : memref<32x768xf32, #tpu.memory_space<vmem>>, vector<1x16xf32>,
      %swap3A_116 = vector.shape_cast %swap3A_115 : vector<1x16xf32> to vector<16xf32>
      %swap3A_117 = vector.shape_cast %get3A_112 : vector<16xf32> to vector<1x16xf32>
      tpu.vector_store %arg7[%swap3A_113, %swap3A_114], %swap3A_117 {strides = array<i32>} : memref<32x768xf32, #tpu.memory_space<vmem>>, vector<1x16xf32>,
      %get3A_118 = arith.index_cast %scan3A_20 : i32 to index
      %get3A_119 = arith.constant 176 : index
      %get3A_120 = tpu.vector_load %arg5[%get3A_118, %get3A_119] {strides = array<i32>} : memref<32x384xf32, #tpu.memory_space<vmem>>, vector<1x16xf32>,
      %get3A_121 = vector.shape_cast %get3A_120 : vector<1x16xf32> to vector<16xf32>
      %swap3A_122 = arith.index_cast %scan3A_20 : i32 to index
      %swap3A_123 = arith.constant 176 : index
      %swap3A_124 = tpu.vector_load %arg7[%swap3A_122, %swap3A_123] {strides = array<i32>} : memref<32x768xf32, #tpu.memory_space<vmem>>, vector<1x16xf32>,
      %swap3A_125 = vector.shape_cast %swap3A_124 : vector<1x16xf32> to vector<16xf32>
      %swap3A_126 = vector.shape_cast %get3A_121 : vector<16xf32> to vector<1x16xf32>
      tpu.vector_store %arg7[%swap3A_122, %swap3A_123], %swap3A_126 {strides = array<i32>} : memref<32x768xf32, #tpu.memory_space<vmem>>, vector<1x16xf32>,
      %get3A_127 = arith.index_cast %scan3A_20 : i32 to index
      %get3A_128 = arith.constant 192 : index
      %get3A_129 = tpu.vector_load %arg5[%get3A_127, %get3A_128] {strides = array<i32>} : memref<32x384xf32, #tpu.memory_space<vmem>>, vector<1x16xf32>,
      %get3A_130 = vector.shape_cast %get3A_129 : vector<1x16xf32> to vector<16xf32>
      %swap3A_131 = arith.index_cast %scan3A_20 : i32 to index
      %swap3A_132 = arith.constant 192 : index
      %swap3A_133 = tpu.vector_load %arg7[%swap3A_131, %swap3A_132] {strides = array<i32>} : memref<32x768xf32, #tpu.memory_space<vmem>>, vector<1x16xf32>,
      %swap3A_134 = vector.shape_cast %swap3A_133 : vector<1x16xf32> to vector<16xf32>
      %swap3A_135 = vector.shape_cast %get3A_130 : vector<16xf32> to vector<1x16xf32>
      tpu.vector_store %arg7[%swap3A_131, %swap3A_132], %swap3A_135 {strides = array<i32>} : memref<32x768xf32, #tpu.memory_space<vmem>>, vector<1x16xf32>,
      %get3A_136 = arith.index_cast %scan3A_20 : i32 to index
      %get3A_137 = arith.constant 208 : index
      %get3A_138 = tpu.vector_load %arg5[%get3A_136, %get3A_137] {strides = array<i32>} : memref<32x384xf32, #tpu.memory_space<vmem>>, vector<1x16xf32>,
      %get3A_139 = vector.shape_cast %get3A_138 : vector<1x16xf32> to vector<16xf32>
      %swap3A_140 = arith.index_cast %scan3A_20 : i32 to index
      %swap3A_141 = arith.constant 208 : index
      %swap3A_142 = tpu.vector_load %arg7[%swap3A_140, %swap3A_141] {strides = array<i32>} : memref<32x768xf32, #tpu.memory_space<vmem>>, vector<1x16xf32>,
      %swap3A_143 = vector.shape_cast %swap3A_142 : vector<1x16xf32> to vector<16xf32>
      %swap3A_144 = vector.shape_cast %get3A_139 : vector<16xf32> to vector<1x16xf32>
      tpu.vector_store %arg7[%swap3A_140, %swap3A_141], %swap3A_144 {strides = array<i32>} : memref<32x768xf32, #tpu.memory_space<vmem>>, vector<1x16xf32>,
      %get3A_145 = arith.index_cast %scan3A_20 : i32 to index
      %get3A_146 = arith.constant 224 : index
      %get3A_147 = tpu.vector_load %arg5[%get3A_145, %get3A_146] {strides = array<i32>} : memref<32x384xf32, #tpu.memory_space<vmem>>, vector<1x16xf32>,
      %get3A_148 = vector.shape_cast %get3A_147 : vector<1x16xf32> to vector<16xf32>
      %swap3A_149 = arith.index_cast %scan3A_20 : i32 to index
      %swap3A_150 = arith.constant 224 : index
      %swap3A_151 = tpu.vector_load %arg7[%swap3A_149, %swap3A_150] {strides = array<i32>} : memref<32x768xf32, #tpu.memory_space<vmem>>, vector<1x16xf32>,
      %swap3A_152 = vector.shape_cast %swap3A_151 : vector<1x16xf32> to vector<16xf32>
      %swap3A_153 = vector.shape_cast %get3A_148 : vector<16xf32> to vector<1x16xf32>
      tpu.vector_store %arg7[%swap3A_149, %swap3A_150], %swap3A_153 {strides = array<i32>} : memref<32x768xf32, #tpu.memory_space<vmem>>, vector<1x16xf32>,
      %get3A_154 = arith.index_cast %scan3A_20 : i32 to index
      %get3A_155 = arith.constant 240 : index
      %get3A_156 = tpu.vector_load %arg5[%get3A_154, %get3A_155] {strides = array<i32>} : memref<32x384xf32, #tpu.memory_space<vmem>>, vector<1x16xf32>,
      %get3A_157 = vector.shape_cast %get3A_156 : vector<1x16xf32> to vector<16xf32>
      %swap3A_158 = arith.index_cast %scan3A_20 : i32 to index
      %swap3A_159 = arith.constant 240 : index
      %swap3A_160 = tpu.vector_load %arg7[%swap3A_158, %swap3A_159] {strides = array<i32>} : memref<32x768xf32, #tpu.memory_space<vmem>>, vector<1x16xf32>,
      %swap3A_161 = vector.shape_cast %swap3A_160 : vector<1x16xf32> to vector<16xf32>
      %swap3A_162 = vector.shape_cast %get3A_157 : vector<16xf32> to vector<1x16xf32>
      tpu.vector_store %arg7[%swap3A_158, %swap3A_159], %swap3A_162 {strides = array<i32>} : memref<32x768xf32, #tpu.memory_space<vmem>>, vector<1x16xf32>,
      %get3A_163 = arith.index_cast %scan3A_20 : i32 to index
      %get3A_164 = arith.constant 256 : index
      %get3A_165 = tpu.vector_load %arg5[%get3A_163, %get3A_164] {strides = array<i32>} : memref<32x384xf32, #tpu.memory_space<vmem>>, vector<1x16xf32>,
      %get3A_166 = vector.shape_cast %get3A_165 : vector<1x16xf32> to vector<16xf32>
      %swap3A_167 = arith.index_cast %scan3A_20 : i32 to index
      %swap3A_168 = arith.constant 256 : index
      %swap3A_169 = tpu.vector_load %arg7[%swap3A_167, %swap3A_168] {strides = array<i32>} : memref<32x768xf32, #tpu.memory_space<vmem>>, vector<1x16xf32>,
      %swap3A_170 = vector.shape_cast %swap3A_169 : vector<1x16xf32> to vector<16xf32>
      %swap3A_171 = vector.shape_cast %get3A_166 : vector<16xf32> to vector<1x16xf32>
      tpu.vector_store %arg7[%swap3A_167, %swap3A_168], %swap3A_171 {strides = array<i32>} : memref<32x768xf32, #tpu.memory_space<vmem>>, vector<1x16xf32>,
      %get3A_172 = arith.index_cast %scan3A_20 : i32 to index
      %get3A_173 = arith.constant 272 : index
      %get3A_174 = tpu.vector_load %arg5[%get3A_172, %get3A_173] {strides = array<i32>} : memref<32x384xf32, #tpu.memory_space<vmem>>, vector<1x16xf32>,
      %get3A_175 = vector.shape_cast %get3A_174 : vector<1x16xf32> to vector<16xf32>
      %swap3A_176 = arith.index_cast %scan3A_20 : i32 to index
      %swap3A_177 = arith.constant 272 : index
      %swap3A_178 = tpu.vector_load %arg7[%swap3A_176, %swap3A_177] {strides = array<i32>} : memref<32x768xf32, #tpu.memory_space<vmem>>, vector<1x16xf32>,
      %swap3A_179 = vector.shape_cast %swap3A_178 : vector<1x16xf32> to vector<16xf32>
      %swap3A_180 = vector.shape_cast %get3A_175 : vector<16xf32> to vector<1x16xf32>
      tpu.vector_store %arg7[%swap3A_176, %swap3A_177], %swap3A_180 {strides = array<i32>} : memref<32x768xf32, #tpu.memory_space<vmem>>, vector<1x16xf32>,
      %get3A_181 = arith.index_cast %scan3A_20 : i32 to index
      %get3A_182 = arith.constant 288 : index
      %get3A_183 = tpu.vector_load %arg5[%get3A_181, %get3A_182] {strides = array<i32>} : memref<32x384xf32, #tpu.memory_space<vmem>>, vector<1x16xf32>,
      %get3A_184 = vector.shape_cast %get3A_183 : vector<1x16xf32> to vector<16xf32>
      %swap3A_185 = arith.index_cast %scan3A_20 : i32 to index
      %swap3A_186 = arith.constant 288 : index
      %swap3A_187 = tpu.vector_load %arg7[%swap3A_185, %swap3A_186] {strides = array<i32>} : memref<32x768xf32, #tpu.memory_space<vmem>>, vector<1x16xf32>,
      %swap3A_188 = vector.shape_cast %swap3A_187 : vector<1x16xf32> to vector<16xf32>
      %swap3A_189 = vector.shape_cast %get3A_184 : vector<16xf32> to vector<1x16xf32>
      tpu.vector_store %arg7[%swap3A_185, %swap3A_186], %swap3A_189 {strides = array<i32>} : memref<32x768xf32, #tpu.memory_space<vmem>>, vector<1x16xf32>,
      %get3A_190 = arith.index_cast %scan3A_20 : i32 to index
      %get3A_191 = arith.constant 304 : index
      %get3A_192 = tpu.vector_load %arg5[%get3A_190, %get3A_191] {strides = array<i32>} : memref<32x384xf32, #tpu.memory_space<vmem>>, vector<1x16xf32>,
      %get3A_193 = vector.shape_cast %get3A_192 : vector<1x16xf32> to vector<16xf32>
      %swap3A_194 = arith.index_cast %scan3A_20 : i32 to index
      %swap3A_195 = arith.constant 304 : index
      %swap3A_196 = tpu.vector_load %arg7[%swap3A_194, %swap3A_195] {strides = array<i32>} : memref<32x768xf32, #tpu.memory_space<vmem>>, vector<1x16xf32>,
      %swap3A_197 = vector.shape_cast %swap3A_196 : vector<1x16xf32> to vector<16xf32>
      %swap3A_198 = vector.shape_cast %get3A_193 : vector<16xf32> to vector<1x16xf32>
      tpu.vector_store %arg7[%swap3A_194, %swap3A_195], %swap3A_198 {strides = array<i32>} : memref<32x768xf32, #tpu.memory_space<vmem>>, vector<1x16xf32>,
      %get3A_199 = arith.index_cast %scan3A_20 : i32 to index
      %get3A_200 = arith.constant 320 : index
      %get3A_201 = tpu.vector_load %arg5[%get3A_199, %get3A_200] {strides = array<i32>} : memref<32x384xf32, #tpu.memory_space<vmem>>, vector<1x16xf32>,
      %get3A_202 = vector.shape_cast %get3A_201 : vector<1x16xf32> to vector<16xf32>
      %swap3A_203 = arith.index_cast %scan3A_20 : i32 to index
      %swap3A_204 = arith.constant 320 : index
      %swap3A_205 = tpu.vector_load %arg7[%swap3A_203, %swap3A_204] {strides = array<i32>} : memref<32x768xf32, #tpu.memory_space<vmem>>, vector<1x16xf32>,
      %swap3A_206 = vector.shape_cast %swap3A_205 : vector<1x16xf32> to vector<16xf32>
      %swap3A_207 = vector.shape_cast %get3A_202 : vector<16xf32> to vector<1x16xf32>
      tpu.vector_store %arg7[%swap3A_203, %swap3A_204], %swap3A_207 {strides = array<i32>} : memref<32x768xf32, #tpu.memory_space<vmem>>, vector<1x16xf32>,
      %get3A_208 = arith.index_cast %scan3A_20 : i32 to index
      %get3A_209 = arith.constant 336 : index
      %get3A_210 = tpu.vector_load %arg5[%get3A_208, %get3A_209] {strides = array<i32>} : memref<32x384xf32, #tpu.memory_space<vmem>>, vector<1x16xf32>,
      %get3A_211 = vector.shape_cast %get3A_210 : vector<1x16xf32> to vector<16xf32>
      %swap3A_212 = arith.index_cast %scan3A_20 : i32 to index
      %swap3A_213 = arith.constant 336 : index
      %swap3A_214 = tpu.vector_load %arg7[%swap3A_212, %swap3A_213] {strides = array<i32>} : memref<32x768xf32, #tpu.memory_space<vmem>>, vector<1x16xf32>,
      %swap3A_215 = vector.shape_cast %swap3A_214 : vector<1x16xf32> to vector<16xf32>
      %swap3A_216 = vector.shape_cast %get3A_211 : vector<16xf32> to vector<1x16xf32>
      tpu.vector_store %arg7[%swap3A_212, %swap3A_213], %swap3A_216 {strides = array<i32>} : memref<32x768xf32, #tpu.memory_space<vmem>>, vector<1x16xf32>,
      %get3A_217 = arith.index_cast %scan3A_20 : i32 to index
      %get3A_218 = arith.constant 352 : index
      %get3A_219 = tpu.vector_load %arg5[%get3A_217, %get3A_218] {strides = array<i32>} : memref<32x384xf32, #tpu.memory_space<vmem>>, vector<1x16xf32>,
      %get3A_220 = vector.shape_cast %get3A_219 : vector<1x16xf32> to vector<16xf32>
      %swap3A_221 = arith.index_cast %scan3A_20 : i32 to index
      %swap3A_222 = arith.constant 352 : index
      %swap3A_223 = tpu.vector_load %arg7[%swap3A_221, %swap3A_222] {strides = array<i32>} : memref<32x768xf32, #tpu.memory_space<vmem>>, vector<1x16xf32>,
      %swap3A_224 = vector.shape_cast %swap3A_223 : vector<1x16xf32> to vector<16xf32>
      %swap3A_225 = vector.shape_cast %get3A_220 : vector<16xf32> to vector<1x16xf32>
      tpu.vector_store %arg7[%swap3A_221, %swap3A_222], %swap3A_225 {strides = array<i32>} : memref<32x768xf32, #tpu.memory_space<vmem>>, vector<1x16xf32>,
      %get3A_226 = arith.index_cast %scan3A_20 : i32 to index
      %get3A_227 = arith.constant 368 : index
      %get3A_228 = tpu.vector_load %arg5[%get3A_226, %get3A_227] {strides = array<i32>} : memref<32x384xf32, #tpu.memory_space<vmem>>, vector<1x16xf32>,
      %get3A_229 = vector.shape_cast %get3A_228 : vector<1x16xf32> to vector<16xf32>
      %swap3A_230 = arith.index_cast %scan3A_20 : i32 to index
      %swap3A_231 = arith.constant 368 : index
      %swap3A_232 = tpu.vector_load %arg7[%swap3A_230, %swap3A_231] {strides = array<i32>} : memref<32x768xf32, #tpu.memory_space<vmem>>, vector<1x16xf32>,
      %swap3A_233 = vector.shape_cast %swap3A_232 : vector<1x16xf32> to vector<16xf32>
      %swap3A_234 = vector.shape_cast %get3A_229 : vector<16xf32> to vector<1x16xf32>
      tpu.vector_store %arg7[%swap3A_230, %swap3A_231], %swap3A_234 {strides = array<i32>} : memref<32x768xf32, #tpu.memory_space<vmem>>, vector<1x16xf32>,
      %get3A_235 = arith.constant 0 : i32
      %get3A_236 = arith.index_cast %get3A_235 : i32 to index
      %get3A_237 = arith.constant 0 : index
      %get3A_238 = tpu.vector_load %arg6[%get3A_236, %get3A_237] {strides = array<i32>} : memref<1x384xf32, #tpu.memory_space<vmem>>, vector<1x16xf32>,
      %get3A_239 = vector.shape_cast %get3A_238 : vector<1x16xf32> to vector<16xf32>
      %swap3A_240 = arith.index_cast %scan3A_20 : i32 to index
      %swap3A_241 = arith.constant 384 : index
      %swap3A_242 = tpu.vector_load %arg7[%swap3A_240, %swap3A_241] {strides = array<i32>} : memref<32x768xf32, #tpu.memory_space<vmem>>, vector<1x16xf32>,
      %swap3A_243 = vector.shape_cast %swap3A_242 : vector<1x16xf32> to vector<16xf32>
      %swap3A_244 = vector.shape_cast %get3A_239 : vector<16xf32> to vector<1x16xf32>
      tpu.vector_store %arg7[%swap3A_240, %swap3A_241], %swap3A_244 {strides = array<i32>} : memref<32x768xf32, #tpu.memory_space<vmem>>, vector<1x16xf32>,
      %get3A_245 = arith.constant 0 : i32
      %get3A_246 = arith.index_cast %get3A_245 : i32 to index
      %get3A_247 = arith.constant 16 : index
      %get3A_248 = tpu.vector_load %arg6[%get3A_246, %get3A_247] {strides = array<i32>} : memref<1x384xf32, #tpu.memory_space<vmem>>, vector<1x16xf32>,
      %get3A_249 = vector.shape_cast %get3A_248 : vector<1x16xf32> to vector<16xf32>
      %swap3A_250 = arith.index_cast %scan3A_20 : i32 to index
      %swap3A_251 = arith.constant 400 : index
      %swap3A_252 = tpu.vector_load %arg7[%swap3A_250, %swap3A_251] {strides = array<i32>} : memref<32x768xf32, #tpu.memory_space<vmem>>, vector<1x16xf32>,
      %swap3A_253 = vector.shape_cast %swap3A_252 : vector<1x16xf32> to vector<16xf32>
      %swap3A_254 = vector.shape_cast %get3A_249 : vector<16xf32> to vector<1x16xf32>
      tpu.vector_store %arg7[%swap3A_250, %swap3A_251], %swap3A_254 {strides = array<i32>} : memref<32x768xf32, #tpu.memory_space<vmem>>, vector<1x16xf32>,
      %get3A_255 = arith.constant 0 : i32
      %get3A_256 = arith.index_cast %get3A_255 : i32 to index
      %get3A_257 = arith.constant 32 : index
      %get3A_258 = tpu.vector_load %arg6[%get3A_256, %get3A_257] {strides = array<i32>} : memref<1x384xf32, #tpu.memory_space<vmem>>, vector<1x16xf32>,
      %get3A_259 = vector.shape_cast %get3A_258 : vector<1x16xf32> to vector<16xf32>
      %swap3A_260 = arith.index_cast %scan3A_20 : i32 to index
      %swap3A_261 = arith.constant 416 : index
      %swap3A_262 = tpu.vector_load %arg7[%swap3A_260, %swap3A_261] {strides = array<i32>} : memref<32x768xf32, #tpu.memory_space<vmem>>, vector<1x16xf32>,
      %swap3A_263 = vector.shape_cast %swap3A_262 : vector<1x16xf32> to vector<16xf32>
      %swap3A_264 = vector.shape_cast %get3A_259 : vector<16xf32> to vector<1x16xf32>
      tpu.vector_store %arg7[%swap3A_260, %swap3A_261], %swap3A_264 {strides = array<i32>} : memref<32x768xf32, #tpu.memory_space<vmem>>, vector<1x16xf32>,
      %get3A_265 = arith.constant 0 : i32
      %get3A_266 = arith.index_cast %get3A_265 : i32 to index
      %get3A_267 = arith.constant 48 : index
      %get3A_268 = tpu.vector_load %arg6[%get3A_266, %get3A_267] {strides = array<i32>} : memref<1x384xf32, #tpu.memory_space<vmem>>, vector<1x16xf32>,
      %get3A_269 = vector.shape_cast %get3A_268 : vector<1x16xf32> to vector<16xf32>
      %swap3A_270 = arith.index_cast %scan3A_20 : i32 to index
      %swap3A_271 = arith.constant 432 : index
      %swap3A_272 = tpu.vector_load %arg7[%swap3A_270, %swap3A_271] {strides = array<i32>} : memref<32x768xf32, #tpu.memory_space<vmem>>, vector<1x16xf32>,
      %swap3A_273 = vector.shape_cast %swap3A_272 : vector<1x16xf32> to vector<16xf32>
      %swap3A_274 = vector.shape_cast %get3A_269 : vector<16xf32> to vector<1x16xf32>
      tpu.vector_store %arg7[%swap3A_270, %swap3A_271], %swap3A_274 {strides = array<i32>} : memref<32x768xf32, #tpu.memory_space<vmem>>, vector<1x16xf32>,
      %get3A_275 = arith.constant 0 : i32
      %get3A_276 = arith.index_cast %get3A_275 : i32 to index
      %get3A_277 = arith.constant 64 : index
      %get3A_278 = tpu.vector_load %arg6[%get3A_276, %get3A_277] {strides = array<i32>} : memref<1x384xf32, #tpu.memory_space<vmem>>, vector<1x16xf32>,
      %get3A_279 = vector.shape_cast %get3A_278 : vector<1x16xf32> to vector<16xf32>
      %swap3A_280 = arith.index_cast %scan3A_20 : i32 to index
      %swap3A_281 = arith.constant 448 : index
      %swap3A_282 = tpu.vector_load %arg7[%swap3A_280, %swap3A_281] {strides = array<i32>} : memref<32x768xf32, #tpu.memory_space<vmem>>, vector<1x16xf32>,
      %swap3A_283 = vector.shape_cast %swap3A_282 : vector<1x16xf32> to vector<16xf32>
      %swap3A_284 = vector.shape_cast %get3A_279 : vector<16xf32> to vector<1x16xf32>
      tpu.vector_store %arg7[%swap3A_280, %swap3A_281], %swap3A_284 {strides = array<i32>} : memref<32x768xf32, #tpu.memory_space<vmem>>, vector<1x16xf32>,
      %get3A_285 = arith.constant 0 : i32
      %get3A_286 = arith.index_cast %get3A_285 : i32 to index
      %get3A_287 = arith.constant 80 : index
      %get3A_288 = tpu.vector_load %arg6[%get3A_286, %get3A_287] {strides = array<i32>} : memref<1x384xf32, #tpu.memory_space<vmem>>, vector<1x16xf32>,
      %get3A_289 = vector.shape_cast %get3A_288 : vector<1x16xf32> to vector<16xf32>
      %swap3A_290 = arith.index_cast %scan3A_20 : i32 to index
      %swap3A_291 = arith.constant 464 : index
      %swap3A_292 = tpu.vector_load %arg7[%swap3A_290, %swap3A_291] {strides = array<i32>} : memref<32x768xf32, #tpu.memory_space<vmem>>, vector<1x16xf32>,
      %swap3A_293 = vector.shape_cast %swap3A_292 : vector<1x16xf32> to vector<16xf32>
      %swap3A_294 = vector.shape_cast %get3A_289 : vector<16xf32> to vector<1x16xf32>
      tpu.vector_store %arg7[%swap3A_290, %swap3A_291], %swap3A_294 {strides = array<i32>} : memref<32x768xf32, #tpu.memory_space<vmem>>, vector<1x16xf32>,
      %get3A_295 = arith.constant 0 : i32
      %get3A_296 = arith.index_cast %get3A_295 : i32 to index
      %get3A_297 = arith.constant 96 : index
      %get3A_298 = tpu.vector_load %arg6[%get3A_296, %get3A_297] {strides = array<i32>} : memref<1x384xf32, #tpu.memory_space<vmem>>, vector<1x16xf32>,
      %get3A_299 = vector.shape_cast %get3A_298 : vector<1x16xf32> to vector<16xf32>
      %swap3A_300 = arith.index_cast %scan3A_20 : i32 to index
      %swap3A_301 = arith.constant 480 : index
      %swap3A_302 = tpu.vector_load %arg7[%swap3A_300, %swap3A_301] {strides = array<i32>} : memref<32x768xf32, #tpu.memory_space<vmem>>, vector<1x16xf32>,
      %swap3A_303 = vector.shape_cast %swap3A_302 : vector<1x16xf32> to vector<16xf32>
      %swap3A_304 = vector.shape_cast %get3A_299 : vector<16xf32> to vector<1x16xf32>
      tpu.vector_store %arg7[%swap3A_300, %swap3A_301], %swap3A_304 {strides = array<i32>} : memref<32x768xf32, #tpu.memory_space<vmem>>, vector<1x16xf32>,
      %get3A_305 = arith.constant 0 : i32
      %get3A_306 = arith.index_cast %get3A_305 : i32 to index
      %get3A_307 = arith.constant 112 : index
      %get3A_308 = tpu.vector_load %arg6[%get3A_306, %get3A_307] {strides = array<i32>} : memref<1x384xf32, #tpu.memory_space<vmem>>, vector<1x16xf32>,
      %get3A_309 = vector.shape_cast %get3A_308 : vector<1x16xf32> to vector<16xf32>
      %swap3A_310 = arith.index_cast %scan3A_20 : i32 to index
      %swap3A_311 = arith.constant 496 : index
      %swap3A_312 = tpu.vector_load %arg7[%swap3A_310, %swap3A_311] {strides = array<i32>} : memref<32x768xf32, #tpu.memory_space<vmem>>, vector<1x16xf32>,
      %swap3A_313 = vector.shape_cast %swap3A_312 : vector<1x16xf32> to vector<16xf32>
      %swap3A_314 = vector.shape_cast %get3A_309 : vector<16xf32> to vector<1x16xf32>
      tpu.vector_store %arg7[%swap3A_310, %swap3A_311], %swap3A_314 {strides = array<i32>} : memref<32x768xf32, #tpu.memory_space<vmem>>, vector<1x16xf32>,
      %get3A_315 = arith.constant 0 : i32
      %get3A_316 = arith.index_cast %get3A_315 : i32 to index
      %get3A_317 = arith.constant 128 : index
      %get3A_318 = tpu.vector_load %arg6[%get3A_316, %get3A_317] {strides = array<i32>} : memref<1x384xf32, #tpu.memory_space<vmem>>, vector<1x16xf32>,
      %get3A_319 = vector.shape_cast %get3A_318 : vector<1x16xf32> to vector<16xf32>
      %swap3A_320 = arith.index_cast %scan3A_20 : i32 to index
      %swap3A_321 = arith.constant 512 : index
      %swap3A_322 = tpu.vector_load %arg7[%swap3A_320, %swap3A_321] {strides = array<i32>} : memref<32x768xf32, #tpu.memory_space<vmem>>, vector<1x16xf32>,
      %swap3A_323 = vector.shape_cast %swap3A_322 : vector<1x16xf32> to vector<16xf32>
      %swap3A_324 = vector.shape_cast %get3A_319 : vector<16xf32> to vector<1x16xf32>
      tpu.vector_store %arg7[%swap3A_320, %swap3A_321], %swap3A_324 {strides = array<i32>} : memref<32x768xf32, #tpu.memory_space<vmem>>, vector<1x16xf32>,
      %get3A_325 = arith.constant 0 : i32
      %get3A_326 = arith.index_cast %get3A_325 : i32 to index
      %get3A_327 = arith.constant 144 : index
      %get3A_328 = tpu.vector_load %arg6[%get3A_326, %get3A_327] {strides = array<i32>} : memref<1x384xf32, #tpu.memory_space<vmem>>, vector<1x16xf32>,
      %get3A_329 = vector.shape_cast %get3A_328 : vector<1x16xf32> to vector<16xf32>
      %swap3A_330 = arith.index_cast %scan3A_20 : i32 to index
      %swap3A_331 = arith.constant 528 : index
      %swap3A_332 = tpu.vector_load %arg7[%swap3A_330, %swap3A_331] {strides = array<i32>} : memref<32x768xf32, #tpu.memory_space<vmem>>, vector<1x16xf32>,
      %swap3A_333 = vector.shape_cast %swap3A_332 : vector<1x16xf32> to vector<16xf32>
      %swap3A_334 = vector.shape_cast %get3A_329 : vector<16xf32> to vector<1x16xf32>
      tpu.vector_store %arg7[%swap3A_330, %swap3A_331], %swap3A_334 {strides = array<i32>} : memref<32x768xf32, #tpu.memory_space<vmem>>, vector<1x16xf32>,
      %get3A_335 = arith.constant 0 : i32
      %get3A_336 = arith.index_cast %get3A_335 : i32 to index
      %get3A_337 = arith.constant 160 : index
      %get3A_338 = tpu.vector_load %arg6[%get3A_336, %get3A_337] {strides = array<i32>} : memref<1x384xf32, #tpu.memory_space<vmem>>, vector<1x16xf32>,
      %get3A_339 = vector.shape_cast %get3A_338 : vector<1x16xf32> to vector<16xf32>
      %swap3A_340 = arith.index_cast %scan3A_20 : i32 to index
      %swap3A_341 = arith.constant 544 : index
      %swap3A_342 = tpu.vector_load %arg7[%swap3A_340, %swap3A_341] {strides = array<i32>} : memref<32x768xf32, #tpu.memory_space<vmem>>, vector<1x16xf32>,
      %swap3A_343 = vector.shape_cast %swap3A_342 : vector<1x16xf32> to vector<16xf32>
      %swap3A_344 = vector.shape_cast %get3A_339 : vector<16xf32> to vector<1x16xf32>
      tpu.vector_store %arg7[%swap3A_340, %swap3A_341], %swap3A_344 {strides = array<i32>} : memref<32x768xf32, #tpu.memory_space<vmem>>, vector<1x16xf32>,
      %get3A_345 = arith.constant 0 : i32
      %get3A_346 = arith.index_cast %get3A_345 : i32 to index
      %get3A_347 = arith.constant 176 : index
      %get3A_348 = tpu.vector_load %arg6[%get3A_346, %get3A_347] {strides = array<i32>} : memref<1x384xf32, #tpu.memory_space<vmem>>, vector<1x16xf32>,
      %get3A_349 = vector.shape_cast %get3A_348 : vector<1x16xf32> to vector<16xf32>
      %swap3A_350 = arith.index_cast %scan3A_20 : i32 to index
      %swap3A_351 = arith.constant 560 : index
      %swap3A_352 = tpu.vector_load %arg7[%swap3A_350, %swap3A_351] {strides = array<i32>} : memref<32x768xf32, #tpu.memory_space<vmem>>, vector<1x16xf32>,
      %swap3A_353 = vector.shape_cast %swap3A_352 : vector<1x16xf32> to vector<16xf32>
      %swap3A_354 = vector.shape_cast %get3A_349 : vector<16xf32> to vector<1x16xf32>
      tpu.vector_store %arg7[%swap3A_350, %swap3A_351], %swap3A_354 {strides = array<i32>} : memref<32x768xf32, #tpu.memory_space<vmem>>, vector<1x16xf32>,
      %get3A_355 = arith.constant 0 : i32
      %get3A_356 = arith.index_cast %get3A_355 : i32 to index
      %get3A_357 = arith.constant 192 : index
      %get3A_358 = tpu.vector_load %arg6[%get3A_356, %get3A_357] {strides = array<i32>} : memref<1x384xf32, #tpu.memory_space<vmem>>, vector<1x16xf32>,
      %get3A_359 = vector.shape_cast %get3A_358 : vector<1x16xf32> to vector<16xf32>
      %swap3A_360 = arith.index_cast %scan3A_20 : i32 to index
      %swap3A_361 = arith.constant 576 : index
      %swap3A_362 = tpu.vector_load %arg7[%swap3A_360, %swap3A_361] {strides = array<i32>} : memref<32x768xf32, #tpu.memory_space<vmem>>, vector<1x16xf32>,
      %swap3A_363 = vector.shape_cast %swap3A_362 : vector<1x16xf32> to vector<16xf32>
      %swap3A_364 = vector.shape_cast %get3A_359 : vector<16xf32> to vector<1x16xf32>
      tpu.vector_store %arg7[%swap3A_360, %swap3A_361], %swap3A_364 {strides = array<i32>} : memref<32x768xf32, #tpu.memory_space<vmem>>, vector<1x16xf32>,
      %get3A_365 = arith.constant 0 : i32
      %get3A_366 = arith.index_cast %get3A_365 : i32 to index
      %get3A_367 = arith.constant 208 : index
      %get3A_368 = tpu.vector_load %arg6[%get3A_366, %get3A_367] {strides = array<i32>} : memref<1x384xf32, #tpu.memory_space<vmem>>, vector<1x16xf32>,
      %get3A_369 = vector.shape_cast %get3A_368 : vector<1x16xf32> to vector<16xf32>
      %swap3A_370 = arith.index_cast %scan3A_20 : i32 to index
      %swap3A_371 = arith.constant 592 : index
      %swap3A_372 = tpu.vector_load %arg7[%swap3A_370, %swap3A_371] {strides = array<i32>} : memref<32x768xf32, #tpu.memory_space<vmem>>, vector<1x16xf32>,
      %swap3A_373 = vector.shape_cast %swap3A_372 : vector<1x16xf32> to vector<16xf32>
      %swap3A_374 = vector.shape_cast %get3A_369 : vector<16xf32> to vector<1x16xf32>
      tpu.vector_store %arg7[%swap3A_370, %swap3A_371], %swap3A_374 {strides = array<i32>} : memref<32x768xf32, #tpu.memory_space<vmem>>, vector<1x16xf32>,
      %get3A_375 = arith.constant 0 : i32
      %get3A_376 = arith.index_cast %get3A_375 : i32 to index
      %get3A_377 = arith.constant 224 : index
      %get3A_378 = tpu.vector_load %arg6[%get3A_376, %get3A_377] {strides = array<i32>} : memref<1x384xf32, #tpu.memory_space<vmem>>, vector<1x16xf32>,
      %get3A_379 = vector.shape_cast %get3A_378 : vector<1x16xf32> to vector<16xf32>
      %swap3A_380 = arith.index_cast %scan3A_20 : i32 to index
      %swap3A_381 = arith.constant 608 : index
      %swap3A_382 = tpu.vector_load %arg7[%swap3A_380, %swap3A_381] {strides = array<i32>} : memref<32x768xf32, #tpu.memory_space<vmem>>, vector<1x16xf32>,
      %swap3A_383 = vector.shape_cast %swap3A_382 : vector<1x16xf32> to vector<16xf32>
      %swap3A_384 = vector.shape_cast %get3A_379 : vector<16xf32> to vector<1x16xf32>
      tpu.vector_store %arg7[%swap3A_380, %swap3A_381], %swap3A_384 {strides = array<i32>} : memref<32x768xf32, #tpu.memory_space<vmem>>, vector<1x16xf32>,
      %get3A_385 = arith.constant 0 : i32
      %get3A_386 = arith.index_cast %get3A_385 : i32 to index
      %get3A_387 = arith.constant 240 : index
      %get3A_388 = tpu.vector_load %arg6[%get3A_386, %get3A_387] {strides = array<i32>} : memref<1x384xf32, #tpu.memory_space<vmem>>, vector<1x16xf32>,
      %get3A_389 = vector.shape_cast %get3A_388 : vector<1x16xf32> to vector<16xf32>
      %swap3A_390 = arith.index_cast %scan3A_20 : i32 to index
      %swap3A_391 = arith.constant 624 : index
      %swap3A_392 = tpu.vector_load %arg7[%swap3A_390, %swap3A_391] {strides = array<i32>} : memref<32x768xf32, #tpu.memory_space<vmem>>, vector<1x16xf32>,
      %swap3A_393 = vector.shape_cast %swap3A_392 : vector<1x16xf32> to vector<16xf32>
      %swap3A_394 = vector.shape_cast %get3A_389 : vector<16xf32> to vector<1x16xf32>
      tpu.vector_store %arg7[%swap3A_390, %swap3A_391], %swap3A_394 {strides = array<i32>} : memref<32x768xf32, #tpu.memory_space<vmem>>, vector<1x16xf32>,
      %get3A_395 = arith.constant 0 : i32
      %get3A_396 = arith.index_cast %get3A_395 : i32 to index
      %get3A_397 = arith.constant 256 : index
      %get3A_398 = tpu.vector_load %arg6[%get3A_396, %get3A_397] {strides = array<i32>} : memref<1x384xf32, #tpu.memory_space<vmem>>, vector<1x16xf32>,
      %get3A_399 = vector.shape_cast %get3A_398 : vector<1x16xf32> to vector<16xf32>
      %swap3A_400 = arith.index_cast %scan3A_20 : i32 to index
      %swap3A_401 = arith.constant 640 : index
      %swap3A_402 = tpu.vector_load %arg7[%swap3A_400, %swap3A_401] {strides = array<i32>} : memref<32x768xf32, #tpu.memory_space<vmem>>, vector<1x16xf32>,
      %swap3A_403 = vector.shape_cast %swap3A_402 : vector<1x16xf32> to vector<16xf32>
      %swap3A_404 = vector.shape_cast %get3A_399 : vector<16xf32> to vector<1x16xf32>
      tpu.vector_store %arg7[%swap3A_400, %swap3A_401], %swap3A_404 {strides = array<i32>} : memref<32x768xf32, #tpu.memory_space<vmem>>, vector<1x16xf32>,
      %get3A_405 = arith.constant 0 : i32
      %get3A_406 = arith.index_cast %get3A_405 : i32 to index
      %get3A_407 = arith.constant 272 : index
      %get3A_408 = tpu.vector_load %arg6[%get3A_406, %get3A_407] {strides = array<i32>} : memref<1x384xf32, #tpu.memory_space<vmem>>, vector<1x16xf32>,
      %get3A_409 = vector.shape_cast %get3A_408 : vector<1x16xf32> to vector<16xf32>
      %swap3A_410 = arith.index_cast %scan3A_20 : i32 to index
      %swap3A_411 = arith.constant 656 : index
      %swap3A_412 = tpu.vector_load %arg7[%swap3A_410, %swap3A_411] {strides = array<i32>} : memref<32x768xf32, #tpu.memory_space<vmem>>, vector<1x16xf32>,
      %swap3A_413 = vector.shape_cast %swap3A_412 : vector<1x16xf32> to vector<16xf32>
      %swap3A_414 = vector.shape_cast %get3A_409 : vector<16xf32> to vector<1x16xf32>
      tpu.vector_store %arg7[%swap3A_410, %swap3A_411], %swap3A_414 {strides = array<i32>} : memref<32x768xf32, #tpu.memory_space<vmem>>, vector<1x16xf32>,
      %get3A_415 = arith.constant 0 : i32
      %get3A_416 = arith.index_cast %get3A_415 : i32 to index
      %get3A_417 = arith.constant 288 : index
      %get3A_418 = tpu.vector_load %arg6[%get3A_416, %get3A_417] {strides = array<i32>} : memref<1x384xf32, #tpu.memory_space<vmem>>, vector<1x16xf32>,
      %get3A_419 = vector.shape_cast %get3A_418 : vector<1x16xf32> to vector<16xf32>
      %swap3A_420 = arith.index_cast %scan3A_20 : i32 to index
      %swap3A_421 = arith.constant 672 : index
      %swap3A_422 = tpu.vector_load %arg7[%swap3A_420, %swap3A_421] {strides = array<i32>} : memref<32x768xf32, #tpu.memory_space<vmem>>, vector<1x16xf32>,
      %swap3A_423 = vector.shape_cast %swap3A_422 : vector<1x16xf32> to vector<16xf32>
      %swap3A_424 = vector.shape_cast %get3A_419 : vector<16xf32> to vector<1x16xf32>
      tpu.vector_store %arg7[%swap3A_420, %swap3A_421], %swap3A_424 {strides = array<i32>} : memref<32x768xf32, #tpu.memory_space<vmem>>, vector<1x16xf32>,
      %get3A_425 = arith.constant 0 : i32
      %get3A_426 = arith.index_cast %get3A_425 : i32 to index
      %get3A_427 = arith.constant 304 : index
      %get3A_428 = tpu.vector_load %arg6[%get3A_426, %get3A_427] {strides = array<i32>} : memref<1x384xf32, #tpu.memory_space<vmem>>, vector<1x16xf32>,
      %get3A_429 = vector.shape_cast %get3A_428 : vector<1x16xf32> to vector<16xf32>
      %swap3A_430 = arith.index_cast %scan3A_20 : i32 to index
      %swap3A_431 = arith.constant 688 : index
      %swap3A_432 = tpu.vector_load %arg7[%swap3A_430, %swap3A_431] {strides = array<i32>} : memref<32x768xf32, #tpu.memory_space<vmem>>, vector<1x16xf32>,
      %swap3A_433 = vector.shape_cast %swap3A_432 : vector<1x16xf32> to vector<16xf32>
      %swap3A_434 = vector.shape_cast %get3A_429 : vector<16xf32> to vector<1x16xf32>
      tpu.vector_store %arg7[%swap3A_430, %swap3A_431], %swap3A_434 {strides = array<i32>} : memref<32x768xf32, #tpu.memory_space<vmem>>, vector<1x16xf32>,
      %get3A_435 = arith.constant 0 : i32
      %get3A_436 = arith.index_cast %get3A_435 : i32 to index
      %get3A_437 = arith.constant 320 : index
      %get3A_438 = tpu.vector_load %arg6[%get3A_436, %get3A_437] {strides = array<i32>} : memref<1x384xf32, #tpu.memory_space<vmem>>, vector<1x16xf32>,
      %get3A_439 = vector.shape_cast %get3A_438 : vector<1x16xf32> to vector<16xf32>
      %swap3A_440 = arith.index_cast %scan3A_20 : i32 to index
      %swap3A_441 = arith.constant 704 : index
      %swap3A_442 = tpu.vector_load %arg7[%swap3A_440, %swap3A_441] {strides = array<i32>} : memref<32x768xf32, #tpu.memory_space<vmem>>, vector<1x16xf32>,
      %swap3A_443 = vector.shape_cast %swap3A_442 : vector<1x16xf32> to vector<16xf32>
      %swap3A_444 = vector.shape_cast %get3A_439 : vector<16xf32> to vector<1x16xf32>
      tpu.vector_store %arg7[%swap3A_440, %swap3A_441], %swap3A_444 {strides = array<i32>} : memref<32x768xf32, #tpu.memory_space<vmem>>, vector<1x16xf32>,
      %get3A_445 = arith.constant 0 : i32
      %get3A_446 = arith.index_cast %get3A_445 : i32 to index
      %get3A_447 = arith.constant 336 : index
      %get3A_448 = tpu.vector_load %arg6[%get3A_446, %get3A_447] {strides = array<i32>} : memref<1x384xf32, #tpu.memory_space<vmem>>, vector<1x16xf32>,
      %get3A_449 = vector.shape_cast %get3A_448 : vector<1x16xf32> to vector<16xf32>
      %swap3A_450 = arith.index_cast %scan3A_20 : i32 to index
      %swap3A_451 = arith.constant 720 : index
      %swap3A_452 = tpu.vector_load %arg7[%swap3A_450, %swap3A_451] {strides = array<i32>} : memref<32x768xf32, #tpu.memory_space<vmem>>, vector<1x16xf32>,
      %swap3A_453 = vector.shape_cast %swap3A_452 : vector<1x16xf32> to vector<16xf32>
      %swap3A_454 = vector.shape_cast %get3A_449 : vector<16xf32> to vector<1x16xf32>
      tpu.vector_store %arg7[%swap3A_450, %swap3A_451], %swap3A_454 {strides = array<i32>} : memref<32x768xf32, #tpu.memory_space<vmem>>, vector<1x16xf32>,
      %get3A_455 = arith.constant 0 : i32
      %get3A_456 = arith.index_cast %get3A_455 : i32 to index
      %get3A_457 = arith.constant 352 : index
      %get3A_458 = tpu.vector_load %arg6[%get3A_456, %get3A_457] {strides = array<i32>} : memref<1x384xf32, #tpu.memory_space<vmem>>, vector<1x16xf32>,
      %get3A_459 = vector.shape_cast %get3A_458 : vector<1x16xf32> to vector<16xf32>
      %swap3A_460 = arith.index_cast %scan3A_20 : i32 to index
      %swap3A_461 = arith.constant 736 : index
      %swap3A_462 = tpu.vector_load %arg7[%swap3A_460, %swap3A_461] {strides = array<i32>} : memref<32x768xf32, #tpu.memory_space<vmem>>, vector<1x16xf32>,
      %swap3A_463 = vector.shape_cast %swap3A_462 : vector<1x16xf32> to vector<16xf32>
      %swap3A_464 = vector.shape_cast %get3A_459 : vector<16xf32> to vector<1x16xf32>
      tpu.vector_store %arg7[%swap3A_460, %swap3A_461], %swap3A_464 {strides = array<i32>} : memref<32x768xf32, #tpu.memory_space<vmem>>, vector<1x16xf32>,
      %get3A_465 = arith.constant 0 : i32
      %get3A_466 = arith.index_cast %get3A_465 : i32 to index
      %get3A_467 = arith.constant 368 : index
      %get3A_468 = tpu.vector_load %arg6[%get3A_466, %get3A_467] {strides = array<i32>} : memref<1x384xf32, #tpu.memory_space<vmem>>, vector<1x16xf32>,
      %get3A_469 = vector.shape_cast %get3A_468 : vector<1x16xf32> to vector<16xf32>
      %swap3A_470 = arith.index_cast %scan3A_20 : i32 to index
      %swap3A_471 = arith.constant 752 : index
      %swap3A_472 = tpu.vector_load %arg7[%swap3A_470, %swap3A_471] {strides = array<i32>} : memref<32x768xf32, #tpu.memory_space<vmem>>, vector<1x16xf32>,
      %swap3A_473 = vector.shape_cast %swap3A_472 : vector<1x16xf32> to vector<16xf32>
      %swap3A_474 = vector.shape_cast %get3A_469 : vector<16xf32> to vector<1x16xf32>
      tpu.vector_store %arg7[%swap3A_470, %swap3A_471], %swap3A_474 {strides = array<i32>} : memref<32x768xf32, #tpu.memory_space<vmem>>, vector<1x16xf32>,
    }
    %scan3A_5 = arith.constant 32 : i32
    %dma_start3A = arith.constant 0 : i32
    %dma_start3A_6 = arith.constant 0 : i32
    %dma_start3A_7 = tpu.memref_slice %arg4[%add3A, %dma_start3A, %dma_start3A_6] : memref<32x32x768xf32, #tpu.memory_space<hbm>> -> memref<1x32x768xf32, #tpu.memory_space<hbm>>
    %dma_start3A_8 = tpu.memref_squeeze %dma_start3A_7 : memref<1x32x768xf32, #tpu.memory_space<hbm>> -> memref<32x768xf32, #tpu.memory_space<hbm>>
    %dma_start3A_9 = arith.constant 0 : i32
    %dma_start3A_10 = arith.constant 0 : i32
    %dma_start3A_11 = tpu.memref_slice %arg4[%add3A, %dma_start3A_9, %dma_start3A_10] : memref<32x32x768xf32, #tpu.memory_space<hbm>> -> memref<1x32x768xf32, #tpu.memory_space<hbm>>
    %dma_start3A_12 = tpu.memref_squeeze %dma_start3A_11 : memref<1x32x768xf32, #tpu.memory_space<hbm>> -> memref<32x768xf32, #tpu.memory_space<hbm>>
    tpu.enqueue_dma source(%arg7 : memref<32x768xf32, #tpu.memory_space<vmem>>) target(%dma_start3A_12 : memref<32x768xf32, #tpu.memory_space<hbm>>) target_semaphore(%arg8 : memref<!tpu.dma_semaphore, #tpu.memory_space<semaphore_mem>>)
    %dma_wait3A = arith.constant 0 : i32
    %dma_wait3A_13 = arith.constant 0 : i32
    %dma_wait3A_14 = tpu.memref_slice %arg4[%add3A, %dma_wait3A, %dma_wait3A_13] : memref<32x32x768xf32, #tpu.memory_space<hbm>> -> memref<1x32x768xf32, #tpu.memory_space<hbm>>
    %dma_wait3A_15 = tpu.memref_squeeze %dma_wait3A_14 : memref<1x32x768xf32, #tpu.memory_space<hbm>> -> memref<32x768xf32, #tpu.memory_space<hbm>>
    %dma_wait3A_16 = arith.constant 0 : i32
    %dma_wait3A_17 = arith.constant 0 : i32
    %dma_wait3A_18 = tpu.memref_slice %arg4[%add3A, %dma_wait3A_16, %dma_wait3A_17] : memref<32x32x768xf32, #tpu.memory_space<hbm>> -> memref<1x32x768xf32, #tpu.memory_space<hbm>>
    %dma_wait3A_19 = tpu.memref_squeeze %dma_wait3A_18 : memref<1x32x768xf32, #tpu.memory_space<hbm>> -> memref<32x768xf32, #tpu.memory_space<hbm>>
    tpu.wait_dma2 semaphore(%arg8 : memref<!tpu.dma_semaphore, #tpu.memory_space<semaphore_mem>>) src(%arg7 : memref<32x768xf32, #tpu.memory_space<vmem>>) dst(%dma_wait3A_19 : memref<32x768xf32, #tpu.memory_space<hbm>>)
    return
  }
}

module attributes {stable_mosaic.version = 14 : i64} {
  func.func @tc_body(%arg0: memref<32x32x768xf32, #tpu.memory_space<vmem>>, %arg1: memref<16x32x32x768xf32, #tpu.memory_space<any>>, %arg2: memref<!tpu.dma_semaphore, #tpu.memory_space<semaphore_mem>>) attributes {dimension_semantics = [], scalar_prefetch = 0 : i64, scratch_operands = 1 : i64, tpu.core_type = #tpu.core_type<tc>} {
    %dma_start3A = arith.constant 0 : i32
    %dma_start3A_0 = arith.constant 0 : i32
    %dma_start3A_1 = arith.constant 0 : i32
    %dma_start3A_2 = arith.constant 0 : i32
    %dma_start3A_3 = tpu.memref_slice %arg1[%dma_start3A, %dma_start3A_0, %dma_start3A_1, %dma_start3A_2] : memref<16x32x32x768xf32, #tpu.memory_space<any>> -> memref<1x32x32x768xf32, #tpu.memory_space<any>>
    %dma_start3A_4 = tpu.memref_squeeze %dma_start3A_3 : memref<1x32x32x768xf32, #tpu.memory_space<any>> -> memref<32x32x768xf32, #tpu.memory_space<any>>
    tpu.enqueue_dma source(%arg0 : memref<32x32x768xf32, #tpu.memory_space<vmem>>) target(%dma_start3A_4 : memref<32x32x768xf32, #tpu.memory_space<any>>) target_semaphore(%arg2 : memref<!tpu.dma_semaphore, #tpu.memory_space<semaphore_mem>>)
    %dma_start3A_5 = arith.constant 1 : i32
    %dma_start3A_6 = arith.constant 0 : i32
    %dma_start3A_7 = arith.constant 0 : i32
    %dma_start3A_8 = arith.constant 0 : i32
    %dma_start3A_9 = tpu.memref_slice %arg1[%dma_start3A_5, %dma_start3A_6, %dma_start3A_7, %dma_start3A_8] : memref<16x32x32x768xf32, #tpu.memory_space<any>> -> memref<1x32x32x768xf32, #tpu.memory_space<any>>
    %dma_start3A_10 = tpu.memref_squeeze %dma_start3A_9 : memref<1x32x32x768xf32, #tpu.memory_space<any>> -> memref<32x32x768xf32, #tpu.memory_space<any>>
    tpu.enqueue_dma source(%arg0 : memref<32x32x768xf32, #tpu.memory_space<vmem>>) target(%dma_start3A_10 : memref<32x32x768xf32, #tpu.memory_space<any>>) target_semaphore(%arg2 : memref<!tpu.dma_semaphore, #tpu.memory_space<semaphore_mem>>)
    %dma_start3A_11 = arith.constant 2 : i32
    %dma_start3A_12 = arith.constant 0 : i32
    %dma_start3A_13 = arith.constant 0 : i32
    %dma_start3A_14 = arith.constant 0 : i32
    %dma_start3A_15 = tpu.memref_slice %arg1[%dma_start3A_11, %dma_start3A_12, %dma_start3A_13, %dma_start3A_14] : memref<16x32x32x768xf32, #tpu.memory_space<any>> -> memref<1x32x32x768xf32, #tpu.memory_space<any>>
    %dma_start3A_16 = tpu.memref_squeeze %dma_start3A_15 : memref<1x32x32x768xf32, #tpu.memory_space<any>> -> memref<32x32x768xf32, #tpu.memory_space<any>>
    tpu.enqueue_dma source(%arg0 : memref<32x32x768xf32, #tpu.memory_space<vmem>>) target(%dma_start3A_16 : memref<32x32x768xf32, #tpu.memory_space<any>>) target_semaphore(%arg2 : memref<!tpu.dma_semaphore, #tpu.memory_space<semaphore_mem>>)
    %dma_start3A_17 = arith.constant 3 : i32
    %dma_start3A_18 = arith.constant 0 : i32
    %dma_start3A_19 = arith.constant 0 : i32
    %dma_start3A_20 = arith.constant 0 : i32
    %dma_start3A_21 = tpu.memref_slice %arg1[%dma_start3A_17, %dma_start3A_18, %dma_start3A_19, %dma_start3A_20] : memref<16x32x32x768xf32, #tpu.memory_space<any>> -> memref<1x32x32x768xf32, #tpu.memory_space<any>>
    %dma_start3A_22 = tpu.memref_squeeze %dma_start3A_21 : memref<1x32x32x768xf32, #tpu.memory_space<any>> -> memref<32x32x768xf32, #tpu.memory_space<any>>
    tpu.enqueue_dma source(%arg0 : memref<32x32x768xf32, #tpu.memory_space<vmem>>) target(%dma_start3A_22 : memref<32x32x768xf32, #tpu.memory_space<any>>) target_semaphore(%arg2 : memref<!tpu.dma_semaphore, #tpu.memory_space<semaphore_mem>>)
    %dma_start3A_23 = arith.constant 4 : i32
    %dma_start3A_24 = arith.constant 0 : i32
    %dma_start3A_25 = arith.constant 0 : i32
    %dma_start3A_26 = arith.constant 0 : i32
    %dma_start3A_27 = tpu.memref_slice %arg1[%dma_start3A_23, %dma_start3A_24, %dma_start3A_25, %dma_start3A_26] : memref<16x32x32x768xf32, #tpu.memory_space<any>> -> memref<1x32x32x768xf32, #tpu.memory_space<any>>
    %dma_start3A_28 = tpu.memref_squeeze %dma_start3A_27 : memref<1x32x32x768xf32, #tpu.memory_space<any>> -> memref<32x32x768xf32, #tpu.memory_space<any>>
    tpu.enqueue_dma source(%arg0 : memref<32x32x768xf32, #tpu.memory_space<vmem>>) target(%dma_start3A_28 : memref<32x32x768xf32, #tpu.memory_space<any>>) target_semaphore(%arg2 : memref<!tpu.dma_semaphore, #tpu.memory_space<semaphore_mem>>)
    %dma_start3A_29 = arith.constant 5 : i32
    %dma_start3A_30 = arith.constant 0 : i32
    %dma_start3A_31 = arith.constant 0 : i32
    %dma_start3A_32 = arith.constant 0 : i32
    %dma_start3A_33 = tpu.memref_slice %arg1[%dma_start3A_29, %dma_start3A_30, %dma_start3A_31, %dma_start3A_32] : memref<16x32x32x768xf32, #tpu.memory_space<any>> -> memref<1x32x32x768xf32, #tpu.memory_space<any>>
    %dma_start3A_34 = tpu.memref_squeeze %dma_start3A_33 : memref<1x32x32x768xf32, #tpu.memory_space<any>> -> memref<32x32x768xf32, #tpu.memory_space<any>>
    tpu.enqueue_dma source(%arg0 : memref<32x32x768xf32, #tpu.memory_space<vmem>>) target(%dma_start3A_34 : memref<32x32x768xf32, #tpu.memory_space<any>>) target_semaphore(%arg2 : memref<!tpu.dma_semaphore, #tpu.memory_space<semaphore_mem>>)
    %dma_start3A_35 = arith.constant 6 : i32
    %dma_start3A_36 = arith.constant 0 : i32
    %dma_start3A_37 = arith.constant 0 : i32
    %dma_start3A_38 = arith.constant 0 : i32
    %dma_start3A_39 = tpu.memref_slice %arg1[%dma_start3A_35, %dma_start3A_36, %dma_start3A_37, %dma_start3A_38] : memref<16x32x32x768xf32, #tpu.memory_space<any>> -> memref<1x32x32x768xf32, #tpu.memory_space<any>>
    %dma_start3A_40 = tpu.memref_squeeze %dma_start3A_39 : memref<1x32x32x768xf32, #tpu.memory_space<any>> -> memref<32x32x768xf32, #tpu.memory_space<any>>
    tpu.enqueue_dma source(%arg0 : memref<32x32x768xf32, #tpu.memory_space<vmem>>) target(%dma_start3A_40 : memref<32x32x768xf32, #tpu.memory_space<any>>) target_semaphore(%arg2 : memref<!tpu.dma_semaphore, #tpu.memory_space<semaphore_mem>>)
    %dma_start3A_41 = arith.constant 7 : i32
    %dma_start3A_42 = arith.constant 0 : i32
    %dma_start3A_43 = arith.constant 0 : i32
    %dma_start3A_44 = arith.constant 0 : i32
    %dma_start3A_45 = tpu.memref_slice %arg1[%dma_start3A_41, %dma_start3A_42, %dma_start3A_43, %dma_start3A_44] : memref<16x32x32x768xf32, #tpu.memory_space<any>> -> memref<1x32x32x768xf32, #tpu.memory_space<any>>
    %dma_start3A_46 = tpu.memref_squeeze %dma_start3A_45 : memref<1x32x32x768xf32, #tpu.memory_space<any>> -> memref<32x32x768xf32, #tpu.memory_space<any>>
    tpu.enqueue_dma source(%arg0 : memref<32x32x768xf32, #tpu.memory_space<vmem>>) target(%dma_start3A_46 : memref<32x32x768xf32, #tpu.memory_space<any>>) target_semaphore(%arg2 : memref<!tpu.dma_semaphore, #tpu.memory_space<semaphore_mem>>)
    %dma_start3A_47 = arith.constant 8 : i32
    %dma_start3A_48 = arith.constant 0 : i32
    %dma_start3A_49 = arith.constant 0 : i32
    %dma_start3A_50 = arith.constant 0 : i32
    %dma_start3A_51 = tpu.memref_slice %arg1[%dma_start3A_47, %dma_start3A_48, %dma_start3A_49, %dma_start3A_50] : memref<16x32x32x768xf32, #tpu.memory_space<any>> -> memref<1x32x32x768xf32, #tpu.memory_space<any>>
    %dma_start3A_52 = tpu.memref_squeeze %dma_start3A_51 : memref<1x32x32x768xf32, #tpu.memory_space<any>> -> memref<32x32x768xf32, #tpu.memory_space<any>>
    tpu.enqueue_dma source(%arg0 : memref<32x32x768xf32, #tpu.memory_space<vmem>>) target(%dma_start3A_52 : memref<32x32x768xf32, #tpu.memory_space<any>>) target_semaphore(%arg2 : memref<!tpu.dma_semaphore, #tpu.memory_space<semaphore_mem>>)
    %dma_start3A_53 = arith.constant 9 : i32
    %dma_start3A_54 = arith.constant 0 : i32
    %dma_start3A_55 = arith.constant 0 : i32
    %dma_start3A_56 = arith.constant 0 : i32
    %dma_start3A_57 = tpu.memref_slice %arg1[%dma_start3A_53, %dma_start3A_54, %dma_start3A_55, %dma_start3A_56] : memref<16x32x32x768xf32, #tpu.memory_space<any>> -> memref<1x32x32x768xf32, #tpu.memory_space<any>>
    %dma_start3A_58 = tpu.memref_squeeze %dma_start3A_57 : memref<1x32x32x768xf32, #tpu.memory_space<any>> -> memref<32x32x768xf32, #tpu.memory_space<any>>
    tpu.enqueue_dma source(%arg0 : memref<32x32x768xf32, #tpu.memory_space<vmem>>) target(%dma_start3A_58 : memref<32x32x768xf32, #tpu.memory_space<any>>) target_semaphore(%arg2 : memref<!tpu.dma_semaphore, #tpu.memory_space<semaphore_mem>>)
    %dma_start3A_59 = arith.constant 10 : i32
    %dma_start3A_60 = arith.constant 0 : i32
    %dma_start3A_61 = arith.constant 0 : i32
    %dma_start3A_62 = arith.constant 0 : i32
    %dma_start3A_63 = tpu.memref_slice %arg1[%dma_start3A_59, %dma_start3A_60, %dma_start3A_61, %dma_start3A_62] : memref<16x32x32x768xf32, #tpu.memory_space<any>> -> memref<1x32x32x768xf32, #tpu.memory_space<any>>
    %dma_start3A_64 = tpu.memref_squeeze %dma_start3A_63 : memref<1x32x32x768xf32, #tpu.memory_space<any>> -> memref<32x32x768xf32, #tpu.memory_space<any>>
    tpu.enqueue_dma source(%arg0 : memref<32x32x768xf32, #tpu.memory_space<vmem>>) target(%dma_start3A_64 : memref<32x32x768xf32, #tpu.memory_space<any>>) target_semaphore(%arg2 : memref<!tpu.dma_semaphore, #tpu.memory_space<semaphore_mem>>)
    %dma_start3A_65 = arith.constant 11 : i32
    %dma_start3A_66 = arith.constant 0 : i32
    %dma_start3A_67 = arith.constant 0 : i32
    %dma_start3A_68 = arith.constant 0 : i32
    %dma_start3A_69 = tpu.memref_slice %arg1[%dma_start3A_65, %dma_start3A_66, %dma_start3A_67, %dma_start3A_68] : memref<16x32x32x768xf32, #tpu.memory_space<any>> -> memref<1x32x32x768xf32, #tpu.memory_space<any>>
    %dma_start3A_70 = tpu.memref_squeeze %dma_start3A_69 : memref<1x32x32x768xf32, #tpu.memory_space<any>> -> memref<32x32x768xf32, #tpu.memory_space<any>>
    tpu.enqueue_dma source(%arg0 : memref<32x32x768xf32, #tpu.memory_space<vmem>>) target(%dma_start3A_70 : memref<32x32x768xf32, #tpu.memory_space<any>>) target_semaphore(%arg2 : memref<!tpu.dma_semaphore, #tpu.memory_space<semaphore_mem>>)
    %dma_start3A_71 = arith.constant 12 : i32
    %dma_start3A_72 = arith.constant 0 : i32
    %dma_start3A_73 = arith.constant 0 : i32
    %dma_start3A_74 = arith.constant 0 : i32
    %dma_start3A_75 = tpu.memref_slice %arg1[%dma_start3A_71, %dma_start3A_72, %dma_start3A_73, %dma_start3A_74] : memref<16x32x32x768xf32, #tpu.memory_space<any>> -> memref<1x32x32x768xf32, #tpu.memory_space<any>>
    %dma_start3A_76 = tpu.memref_squeeze %dma_start3A_75 : memref<1x32x32x768xf32, #tpu.memory_space<any>> -> memref<32x32x768xf32, #tpu.memory_space<any>>
    tpu.enqueue_dma source(%arg0 : memref<32x32x768xf32, #tpu.memory_space<vmem>>) target(%dma_start3A_76 : memref<32x32x768xf32, #tpu.memory_space<any>>) target_semaphore(%arg2 : memref<!tpu.dma_semaphore, #tpu.memory_space<semaphore_mem>>)
    %dma_start3A_77 = arith.constant 13 : i32
    %dma_start3A_78 = arith.constant 0 : i32
    %dma_start3A_79 = arith.constant 0 : i32
    %dma_start3A_80 = arith.constant 0 : i32
    %dma_start3A_81 = tpu.memref_slice %arg1[%dma_start3A_77, %dma_start3A_78, %dma_start3A_79, %dma_start3A_80] : memref<16x32x32x768xf32, #tpu.memory_space<any>> -> memref<1x32x32x768xf32, #tpu.memory_space<any>>
    %dma_start3A_82 = tpu.memref_squeeze %dma_start3A_81 : memref<1x32x32x768xf32, #tpu.memory_space<any>> -> memref<32x32x768xf32, #tpu.memory_space<any>>
    tpu.enqueue_dma source(%arg0 : memref<32x32x768xf32, #tpu.memory_space<vmem>>) target(%dma_start3A_82 : memref<32x32x768xf32, #tpu.memory_space<any>>) target_semaphore(%arg2 : memref<!tpu.dma_semaphore, #tpu.memory_space<semaphore_mem>>)
    %dma_start3A_83 = arith.constant 14 : i32
    %dma_start3A_84 = arith.constant 0 : i32
    %dma_start3A_85 = arith.constant 0 : i32
    %dma_start3A_86 = arith.constant 0 : i32
    %dma_start3A_87 = tpu.memref_slice %arg1[%dma_start3A_83, %dma_start3A_84, %dma_start3A_85, %dma_start3A_86] : memref<16x32x32x768xf32, #tpu.memory_space<any>> -> memref<1x32x32x768xf32, #tpu.memory_space<any>>
    %dma_start3A_88 = tpu.memref_squeeze %dma_start3A_87 : memref<1x32x32x768xf32, #tpu.memory_space<any>> -> memref<32x32x768xf32, #tpu.memory_space<any>>
    tpu.enqueue_dma source(%arg0 : memref<32x32x768xf32, #tpu.memory_space<vmem>>) target(%dma_start3A_88 : memref<32x32x768xf32, #tpu.memory_space<any>>) target_semaphore(%arg2 : memref<!tpu.dma_semaphore, #tpu.memory_space<semaphore_mem>>)
    %dma_start3A_89 = arith.constant 15 : i32
    %dma_start3A_90 = arith.constant 0 : i32
    %dma_start3A_91 = arith.constant 0 : i32
    %dma_start3A_92 = arith.constant 0 : i32
    %dma_start3A_93 = tpu.memref_slice %arg1[%dma_start3A_89, %dma_start3A_90, %dma_start3A_91, %dma_start3A_92] : memref<16x32x32x768xf32, #tpu.memory_space<any>> -> memref<1x32x32x768xf32, #tpu.memory_space<any>>
    %dma_start3A_94 = tpu.memref_squeeze %dma_start3A_93 : memref<1x32x32x768xf32, #tpu.memory_space<any>> -> memref<32x32x768xf32, #tpu.memory_space<any>>
    tpu.enqueue_dma source(%arg0 : memref<32x32x768xf32, #tpu.memory_space<vmem>>) target(%dma_start3A_94 : memref<32x32x768xf32, #tpu.memory_space<any>>) target_semaphore(%arg2 : memref<!tpu.dma_semaphore, #tpu.memory_space<semaphore_mem>>)
    %dma_wait3A = arith.constant 0 : i32
    %dma_wait3A_95 = arith.constant 0 : i32
    %dma_wait3A_96 = arith.constant 0 : i32
    %dma_wait3A_97 = arith.constant 0 : i32
    %dma_wait3A_98 = tpu.memref_slice %arg1[%dma_wait3A, %dma_wait3A_95, %dma_wait3A_96, %dma_wait3A_97] : memref<16x32x32x768xf32, #tpu.memory_space<any>> -> memref<1x32x32x768xf32, #tpu.memory_space<any>>
    %dma_wait3A_99 = tpu.memref_squeeze %dma_wait3A_98 : memref<1x32x32x768xf32, #tpu.memory_space<any>> -> memref<32x32x768xf32, #tpu.memory_space<any>>
    tpu.wait_dma2 semaphore(%arg2 : memref<!tpu.dma_semaphore, #tpu.memory_space<semaphore_mem>>) src(%arg0 : memref<32x32x768xf32, #tpu.memory_space<vmem>>) dst(%dma_wait3A_99 : memref<32x32x768xf32, #tpu.memory_space<any>>)
    %dma_wait3A_100 = arith.constant 1 : i32
    %dma_wait3A_101 = arith.constant 0 : i32
    %dma_wait3A_102 = arith.constant 0 : i32
    %dma_wait3A_103 = arith.constant 0 : i32
    %dma_wait3A_104 = tpu.memref_slice %arg1[%dma_wait3A_100, %dma_wait3A_101, %dma_wait3A_102, %dma_wait3A_103] : memref<16x32x32x768xf32, #tpu.memory_space<any>> -> memref<1x32x32x768xf32, #tpu.memory_space<any>>
    %dma_wait3A_105 = tpu.memref_squeeze %dma_wait3A_104 : memref<1x32x32x768xf32, #tpu.memory_space<any>> -> memref<32x32x768xf32, #tpu.memory_space<any>>
    tpu.wait_dma2 semaphore(%arg2 : memref<!tpu.dma_semaphore, #tpu.memory_space<semaphore_mem>>) src(%arg0 : memref<32x32x768xf32, #tpu.memory_space<vmem>>) dst(%dma_wait3A_105 : memref<32x32x768xf32, #tpu.memory_space<any>>)
    %dma_wait3A_106 = arith.constant 2 : i32
    %dma_wait3A_107 = arith.constant 0 : i32
    %dma_wait3A_108 = arith.constant 0 : i32
    %dma_wait3A_109 = arith.constant 0 : i32
    %dma_wait3A_110 = tpu.memref_slice %arg1[%dma_wait3A_106, %dma_wait3A_107, %dma_wait3A_108, %dma_wait3A_109] : memref<16x32x32x768xf32, #tpu.memory_space<any>> -> memref<1x32x32x768xf32, #tpu.memory_space<any>>
    %dma_wait3A_111 = tpu.memref_squeeze %dma_wait3A_110 : memref<1x32x32x768xf32, #tpu.memory_space<any>> -> memref<32x32x768xf32, #tpu.memory_space<any>>
    tpu.wait_dma2 semaphore(%arg2 : memref<!tpu.dma_semaphore, #tpu.memory_space<semaphore_mem>>) src(%arg0 : memref<32x32x768xf32, #tpu.memory_space<vmem>>) dst(%dma_wait3A_111 : memref<32x32x768xf32, #tpu.memory_space<any>>)
    %dma_wait3A_112 = arith.constant 3 : i32
    %dma_wait3A_113 = arith.constant 0 : i32
    %dma_wait3A_114 = arith.constant 0 : i32
    %dma_wait3A_115 = arith.constant 0 : i32
    %dma_wait3A_116 = tpu.memref_slice %arg1[%dma_wait3A_112, %dma_wait3A_113, %dma_wait3A_114, %dma_wait3A_115] : memref<16x32x32x768xf32, #tpu.memory_space<any>> -> memref<1x32x32x768xf32, #tpu.memory_space<any>>
    %dma_wait3A_117 = tpu.memref_squeeze %dma_wait3A_116 : memref<1x32x32x768xf32, #tpu.memory_space<any>> -> memref<32x32x768xf32, #tpu.memory_space<any>>
    tpu.wait_dma2 semaphore(%arg2 : memref<!tpu.dma_semaphore, #tpu.memory_space<semaphore_mem>>) src(%arg0 : memref<32x32x768xf32, #tpu.memory_space<vmem>>) dst(%dma_wait3A_117 : memref<32x32x768xf32, #tpu.memory_space<any>>)
    %dma_wait3A_118 = arith.constant 4 : i32
    %dma_wait3A_119 = arith.constant 0 : i32
    %dma_wait3A_120 = arith.constant 0 : i32
    %dma_wait3A_121 = arith.constant 0 : i32
    %dma_wait3A_122 = tpu.memref_slice %arg1[%dma_wait3A_118, %dma_wait3A_119, %dma_wait3A_120, %dma_wait3A_121] : memref<16x32x32x768xf32, #tpu.memory_space<any>> -> memref<1x32x32x768xf32, #tpu.memory_space<any>>
    %dma_wait3A_123 = tpu.memref_squeeze %dma_wait3A_122 : memref<1x32x32x768xf32, #tpu.memory_space<any>> -> memref<32x32x768xf32, #tpu.memory_space<any>>
    tpu.wait_dma2 semaphore(%arg2 : memref<!tpu.dma_semaphore, #tpu.memory_space<semaphore_mem>>) src(%arg0 : memref<32x32x768xf32, #tpu.memory_space<vmem>>) dst(%dma_wait3A_123 : memref<32x32x768xf32, #tpu.memory_space<any>>)
    %dma_wait3A_124 = arith.constant 5 : i32
    %dma_wait3A_125 = arith.constant 0 : i32
    %dma_wait3A_126 = arith.constant 0 : i32
    %dma_wait3A_127 = arith.constant 0 : i32
    %dma_wait3A_128 = tpu.memref_slice %arg1[%dma_wait3A_124, %dma_wait3A_125, %dma_wait3A_126, %dma_wait3A_127] : memref<16x32x32x768xf32, #tpu.memory_space<any>> -> memref<1x32x32x768xf32, #tpu.memory_space<any>>
    %dma_wait3A_129 = tpu.memref_squeeze %dma_wait3A_128 : memref<1x32x32x768xf32, #tpu.memory_space<any>> -> memref<32x32x768xf32, #tpu.memory_space<any>>
    tpu.wait_dma2 semaphore(%arg2 : memref<!tpu.dma_semaphore, #tpu.memory_space<semaphore_mem>>) src(%arg0 : memref<32x32x768xf32, #tpu.memory_space<vmem>>) dst(%dma_wait3A_129 : memref<32x32x768xf32, #tpu.memory_space<any>>)
    %dma_wait3A_130 = arith.constant 6 : i32
    %dma_wait3A_131 = arith.constant 0 : i32
    %dma_wait3A_132 = arith.constant 0 : i32
    %dma_wait3A_133 = arith.constant 0 : i32
    %dma_wait3A_134 = tpu.memref_slice %arg1[%dma_wait3A_130, %dma_wait3A_131, %dma_wait3A_132, %dma_wait3A_133] : memref<16x32x32x768xf32, #tpu.memory_space<any>> -> memref<1x32x32x768xf32, #tpu.memory_space<any>>
    %dma_wait3A_135 = tpu.memref_squeeze %dma_wait3A_134 : memref<1x32x32x768xf32, #tpu.memory_space<any>> -> memref<32x32x768xf32, #tpu.memory_space<any>>
    tpu.wait_dma2 semaphore(%arg2 : memref<!tpu.dma_semaphore, #tpu.memory_space<semaphore_mem>>) src(%arg0 : memref<32x32x768xf32, #tpu.memory_space<vmem>>) dst(%dma_wait3A_135 : memref<32x32x768xf32, #tpu.memory_space<any>>)
    %dma_wait3A_136 = arith.constant 7 : i32
    %dma_wait3A_137 = arith.constant 0 : i32
    %dma_wait3A_138 = arith.constant 0 : i32
    %dma_wait3A_139 = arith.constant 0 : i32
    %dma_wait3A_140 = tpu.memref_slice %arg1[%dma_wait3A_136, %dma_wait3A_137, %dma_wait3A_138, %dma_wait3A_139] : memref<16x32x32x768xf32, #tpu.memory_space<any>> -> memref<1x32x32x768xf32, #tpu.memory_space<any>>
    %dma_wait3A_141 = tpu.memref_squeeze %dma_wait3A_140 : memref<1x32x32x768xf32, #tpu.memory_space<any>> -> memref<32x32x768xf32, #tpu.memory_space<any>>
    tpu.wait_dma2 semaphore(%arg2 : memref<!tpu.dma_semaphore, #tpu.memory_space<semaphore_mem>>) src(%arg0 : memref<32x32x768xf32, #tpu.memory_space<vmem>>) dst(%dma_wait3A_141 : memref<32x32x768xf32, #tpu.memory_space<any>>)
    %dma_wait3A_142 = arith.constant 8 : i32
    %dma_wait3A_143 = arith.constant 0 : i32
    %dma_wait3A_144 = arith.constant 0 : i32
    %dma_wait3A_145 = arith.constant 0 : i32
    %dma_wait3A_146 = tpu.memref_slice %arg1[%dma_wait3A_142, %dma_wait3A_143, %dma_wait3A_144, %dma_wait3A_145] : memref<16x32x32x768xf32, #tpu.memory_space<any>> -> memref<1x32x32x768xf32, #tpu.memory_space<any>>
    %dma_wait3A_147 = tpu.memref_squeeze %dma_wait3A_146 : memref<1x32x32x768xf32, #tpu.memory_space<any>> -> memref<32x32x768xf32, #tpu.memory_space<any>>
    tpu.wait_dma2 semaphore(%arg2 : memref<!tpu.dma_semaphore, #tpu.memory_space<semaphore_mem>>) src(%arg0 : memref<32x32x768xf32, #tpu.memory_space<vmem>>) dst(%dma_wait3A_147 : memref<32x32x768xf32, #tpu.memory_space<any>>)
    %dma_wait3A_148 = arith.constant 9 : i32
    %dma_wait3A_149 = arith.constant 0 : i32
    %dma_wait3A_150 = arith.constant 0 : i32
    %dma_wait3A_151 = arith.constant 0 : i32
    %dma_wait3A_152 = tpu.memref_slice %arg1[%dma_wait3A_148, %dma_wait3A_149, %dma_wait3A_150, %dma_wait3A_151] : memref<16x32x32x768xf32, #tpu.memory_space<any>> -> memref<1x32x32x768xf32, #tpu.memory_space<any>>
    %dma_wait3A_153 = tpu.memref_squeeze %dma_wait3A_152 : memref<1x32x32x768xf32, #tpu.memory_space<any>> -> memref<32x32x768xf32, #tpu.memory_space<any>>
    tpu.wait_dma2 semaphore(%arg2 : memref<!tpu.dma_semaphore, #tpu.memory_space<semaphore_mem>>) src(%arg0 : memref<32x32x768xf32, #tpu.memory_space<vmem>>) dst(%dma_wait3A_153 : memref<32x32x768xf32, #tpu.memory_space<any>>)
    %dma_wait3A_154 = arith.constant 10 : i32
    %dma_wait3A_155 = arith.constant 0 : i32
    %dma_wait3A_156 = arith.constant 0 : i32
    %dma_wait3A_157 = arith.constant 0 : i32
    %dma_wait3A_158 = tpu.memref_slice %arg1[%dma_wait3A_154, %dma_wait3A_155, %dma_wait3A_156, %dma_wait3A_157] : memref<16x32x32x768xf32, #tpu.memory_space<any>> -> memref<1x32x32x768xf32, #tpu.memory_space<any>>
    %dma_wait3A_159 = tpu.memref_squeeze %dma_wait3A_158 : memref<1x32x32x768xf32, #tpu.memory_space<any>> -> memref<32x32x768xf32, #tpu.memory_space<any>>
    tpu.wait_dma2 semaphore(%arg2 : memref<!tpu.dma_semaphore, #tpu.memory_space<semaphore_mem>>) src(%arg0 : memref<32x32x768xf32, #tpu.memory_space<vmem>>) dst(%dma_wait3A_159 : memref<32x32x768xf32, #tpu.memory_space<any>>)
    %dma_wait3A_160 = arith.constant 11 : i32
    %dma_wait3A_161 = arith.constant 0 : i32
    %dma_wait3A_162 = arith.constant 0 : i32
    %dma_wait3A_163 = arith.constant 0 : i32
    %dma_wait3A_164 = tpu.memref_slice %arg1[%dma_wait3A_160, %dma_wait3A_161, %dma_wait3A_162, %dma_wait3A_163] : memref<16x32x32x768xf32, #tpu.memory_space<any>> -> memref<1x32x32x768xf32, #tpu.memory_space<any>>
    %dma_wait3A_165 = tpu.memref_squeeze %dma_wait3A_164 : memref<1x32x32x768xf32, #tpu.memory_space<any>> -> memref<32x32x768xf32, #tpu.memory_space<any>>
    tpu.wait_dma2 semaphore(%arg2 : memref<!tpu.dma_semaphore, #tpu.memory_space<semaphore_mem>>) src(%arg0 : memref<32x32x768xf32, #tpu.memory_space<vmem>>) dst(%dma_wait3A_165 : memref<32x32x768xf32, #tpu.memory_space<any>>)
    %dma_wait3A_166 = arith.constant 12 : i32
    %dma_wait3A_167 = arith.constant 0 : i32
    %dma_wait3A_168 = arith.constant 0 : i32
    %dma_wait3A_169 = arith.constant 0 : i32
    %dma_wait3A_170 = tpu.memref_slice %arg1[%dma_wait3A_166, %dma_wait3A_167, %dma_wait3A_168, %dma_wait3A_169] : memref<16x32x32x768xf32, #tpu.memory_space<any>> -> memref<1x32x32x768xf32, #tpu.memory_space<any>>
    %dma_wait3A_171 = tpu.memref_squeeze %dma_wait3A_170 : memref<1x32x32x768xf32, #tpu.memory_space<any>> -> memref<32x32x768xf32, #tpu.memory_space<any>>
    tpu.wait_dma2 semaphore(%arg2 : memref<!tpu.dma_semaphore, #tpu.memory_space<semaphore_mem>>) src(%arg0 : memref<32x32x768xf32, #tpu.memory_space<vmem>>) dst(%dma_wait3A_171 : memref<32x32x768xf32, #tpu.memory_space<any>>)
    %dma_wait3A_172 = arith.constant 13 : i32
    %dma_wait3A_173 = arith.constant 0 : i32
    %dma_wait3A_174 = arith.constant 0 : i32
    %dma_wait3A_175 = arith.constant 0 : i32
    %dma_wait3A_176 = tpu.memref_slice %arg1[%dma_wait3A_172, %dma_wait3A_173, %dma_wait3A_174, %dma_wait3A_175] : memref<16x32x32x768xf32, #tpu.memory_space<any>> -> memref<1x32x32x768xf32, #tpu.memory_space<any>>
    %dma_wait3A_177 = tpu.memref_squeeze %dma_wait3A_176 : memref<1x32x32x768xf32, #tpu.memory_space<any>> -> memref<32x32x768xf32, #tpu.memory_space<any>>
    tpu.wait_dma2 semaphore(%arg2 : memref<!tpu.dma_semaphore, #tpu.memory_space<semaphore_mem>>) src(%arg0 : memref<32x32x768xf32, #tpu.memory_space<vmem>>) dst(%dma_wait3A_177 : memref<32x32x768xf32, #tpu.memory_space<any>>)
    %dma_wait3A_178 = arith.constant 14 : i32
    %dma_wait3A_179 = arith.constant 0 : i32
    %dma_wait3A_180 = arith.constant 0 : i32
    %dma_wait3A_181 = arith.constant 0 : i32
    %dma_wait3A_182 = tpu.memref_slice %arg1[%dma_wait3A_178, %dma_wait3A_179, %dma_wait3A_180, %dma_wait3A_181] : memref<16x32x32x768xf32, #tpu.memory_space<any>> -> memref<1x32x32x768xf32, #tpu.memory_space<any>>
    %dma_wait3A_183 = tpu.memref_squeeze %dma_wait3A_182 : memref<1x32x32x768xf32, #tpu.memory_space<any>> -> memref<32x32x768xf32, #tpu.memory_space<any>>
    tpu.wait_dma2 semaphore(%arg2 : memref<!tpu.dma_semaphore, #tpu.memory_space<semaphore_mem>>) src(%arg0 : memref<32x32x768xf32, #tpu.memory_space<vmem>>) dst(%dma_wait3A_183 : memref<32x32x768xf32, #tpu.memory_space<any>>)
    %dma_wait3A_184 = arith.constant 15 : i32
    %dma_wait3A_185 = arith.constant 0 : i32
    %dma_wait3A_186 = arith.constant 0 : i32
    %dma_wait3A_187 = arith.constant 0 : i32
    %dma_wait3A_188 = tpu.memref_slice %arg1[%dma_wait3A_184, %dma_wait3A_185, %dma_wait3A_186, %dma_wait3A_187] : memref<16x32x32x768xf32, #tpu.memory_space<any>> -> memref<1x32x32x768xf32, #tpu.memory_space<any>>
    %dma_wait3A_189 = tpu.memref_squeeze %dma_wait3A_188 : memref<1x32x32x768xf32, #tpu.memory_space<any>> -> memref<32x32x768xf32, #tpu.memory_space<any>>
    tpu.wait_dma2 semaphore(%arg2 : memref<!tpu.dma_semaphore, #tpu.memory_space<semaphore_mem>>) src(%arg0 : memref<32x32x768xf32, #tpu.memory_space<vmem>>) dst(%dma_wait3A_189 : memref<32x32x768xf32, #tpu.memory_space<any>>)
    return
  }
}

</mosaic_0001>

<sc_bundles>
// kernel: kernel.4.cloned.1.call-start
scs
__scs_entry_jumppad:
0x0: {  	(pc) =	sbr.rel $0x88, $3  }
0x1: {  	(tag) =	ssettag $0x0;
	lr =	simm.s32 $0x1  }
0x2: {  	[smem:$0x3F9F] =	sst lr;
	_ =	strace $0xD0000000  }
0x3: {  	_ = 	snop  }
0x4: {  	_ = 	snop  }
0x5: {  	_ = 	snop  }
0x6: {  	_ = 	snop  }
0x7: {  	_ = 	snop  }
__scs_overlays_trampoline_lowered:
0x8: {  	[smem:$0x3FAE] =	sst s0  }
0x9: {  	[smem:$0x3FAF] =	sst s1  }
0xa: {  	[smem:$0x3FB0] =	sst s2  }
0xb: {  	[smem:$0x3FB1] =	sst s3  }
0xc: {  	[smem:$0x3FB2] =	sst s4  }
0xd: {  	[smem:$0x3FB3] =	sst s5  }
0xe: {  	[smem:$0x3FB4] =	sst s6  }
0xf: {  	[smem:$0x3FB5] =	sst s7  }
0x10: {  	[smem:$0x3FB6] =	sst s8  }
0x11: {  	[smem:$0x3FB7] =	sst s9;
	s0 =	simm.s32 @!p0 $0x0  }
0x12: {  	s1 =	sld [smem:$0x3F9D];
	s0 =	simm.s32 @p0 $0x1  }
0x13: {  	[smem:$0x3FB8] =	sst s0;
	s0 =	simm.s32 @!p1 $0x0  }
0x14: {  	s2 =	sld [smem:$0x3F9C];
	s0 =	simm.s32 @p1 $0x1  }
0x15: {  	[smem:$0x3FB9] =	sst s0;
	s0 =	simm.s32 @!p2 $0x0  }
0x16: {  	s3 =	sld [smem:$0x3FDB];
	s0 =	simm.s32 @p2 $0x1  }
0x17: {  	s4 =	simm.s32 $0x1BF5;
	[smem:$0x3FBB] =	sst s0  }
0x18: {  	s0 =	sld [smem:$0x3F9E];
	_ =	swait.ge [sflag:s4], $0x0  }
0x19: {  	s7 =	sld [smem:$0x3F9F]  }
0x1a: {  	s8 =	sadd.s32 $0xFFFFE003, lr  }
0x1b: {  	s9 =	sadd.s32 $0xFFFFFEF7, lr;
	s5 =	simm.s32 $0xFFFFFFFF;
	p2 =	slt.u32 s8, $0xFFFFF086  }
0x1c: {  	p1 =	slt.u32 s9, $0xF7A;
	s5 =	simm.s32 @!p2 $0x0  }
0x1d: {  	s5 =	simm.s32 @p1 $0x1;
	p0 =	seq.s32 s7, s2  }
0x1e: {  	s7 =	smul.u32 @!p0 $0xF7A, s2;
	p2 =	seq.s32 @!p0 s5, $0x0  }
0x1f: {  	s9 =	smul.u32 $0xF7A, s1;
	s8 =	simm.s32 @!p0 $0x1BF5;
	p2 =	por !p2, p0  }
0x20: {  	[sflag:s8] =	ssyncset.s32 @!p0 $0xFFFFF086;
	s6 =	sadd.s32 @!p0 s3, s7;
	s7 =	simm.s32 @!p0 $0x108  }
0x21: {  	s3 =	sadd.s32 s3, s9;
	s6 =	sadd.s32 @!p0 $0x88, s6;
	s7 =	simm.s32 @p2 $0x1082  }
0x22: {  	[simem:s7], [sflag:s8] =	dma.local @!p0 [hbm:s6], $0xF7A  }
0x23: {  	s9 =	sor.u32 $0xD0000000, s2;
	s6 =	simm.s32 $0x108;
	_ =	swait.ge @!p0 [sflag:s8], $0x0  }
0x24: {  	s3 =	sadd.s32 $0x88, s3;
	s6 =	simm.s32 @!p1 $0x1082;
	[sflag:s4] =	ssyncset.s32 $0xFFFFF086  }
0x25: {  	[simem:s6], [sflag:s4] =	dma.local [hbm:s3], $0xF7A  }
0x26: {  	[smem:$0x3F9F] =	sst s1;
	(tag) =	ssettag s2;
	_ =	strace s9  }
0x27: {  	s1 =	sld [smem:$0x3FAF]  }
0x28: {  	s2 =	sld [smem:$0x3FB0]  }
0x29: {  	s4 =	sld [smem:$0x3FB2]  }
0x2a: {  	p0 =	seq.s32 s5, $0x0;
	s5 =	sld [smem:$0x3FB3]  }
0x2b: {  	s6 =	sld [smem:$0x3FB4]  }
0x2c: {  	s7 =	sld [smem:$0x3FB5]  }
0x2d: {  	s3 =	simm.s32 $0x108;
	s8 =	sld [smem:$0x3FB6]  }
0x2e: {  	s3 =	simm.s32 @!p0 $0x1082;
	s9 =	sld [smem:$0x3FB7]  }
0x2f: {  	lr =	sadd.s32 s0, s3;
	s0 =	sld [smem:$0x3FAE]  }
0x30: {  	s3 =	sld [smem:$0x3FB1]  }
0x31: {  	[smem:$0x3FBA] =	sst s10  }
0x32: {  	s10 =	sld [smem:$0x3FB8];
	_ =	sdelay $0x3  }
0x33: {  	p0 =	seq.s32 s10, $0x1;
	s10 =	sld [smem:$0x3FBA];
	_ =	sdelay $0x3  }
0x34: {  	[smem:$0x3FBA] =	sst s10  }
0x35: {  	s10 =	sld [smem:$0x3FB9];
	_ =	sdelay $0x3  }
0x36: {  	p1 =	seq.s32 s10, $0x1;
	s10 =	sld [smem:$0x3FBA];
	_ =	sdelay $0x3  }
0x37: {  	[smem:$0x3FBA] =	sst s10  }
0x38: {  	s10 =	sld [smem:$0x3FBB]  }
0x39: {  	_ = 	snop;
	(pc) =	sbr.ind lr, $3  }
0x3a: {  	_ = 	snop  }
0x3b: {  	_ = 	snop  }
0x3c: {  	p2 =	seq.s32 s10, $0x1;
	s10 =	sld [smem:$0x3FBA]  }
0x3d: {  	_ =	shalt  }
0x3e: {  	_ =	shalt  }
0x3f: {  	_ =	shalt  }
0x40: {  	_ =	shalt  }
0x41: {  	_ =	shalt  }
0x42: {  	_ =	shalt  }
0x43: {  	_ =	shalt  }
0x44: {  	_ =	shalt  }
0x45: {  	_ =	shalt  }
0x46: {  	_ =	shalt  }
0x47: {  	_ =	shalt  }
0x48: {  	_ =	shalt  }
0x49: {  	_ =	shalt  }
0x4a: {  	_ =	shalt  }
0x4b: {  	_ =	shalt  }
0x4c: {  	_ =	shalt  }
0x4d: {  	_ =	shalt  }
0x4e: {  	_ =	shalt  }
0x4f: {  	_ =	shalt  }
0x50: {  	_ =	shalt  }
0x51: {  	_ =	shalt  }
0x52: {  	_ =	shalt  }
0x53: {  	_ =	shalt  }
0x54: {  	_ =	shalt  }
0x55: {  	_ =	shalt  }
0x56: {  	_ =	shalt  }
0x57: {  	_ =	shalt  }
0x58: {  	_ =	shalt  }
0x59: {  	_ =	shalt  }
0x5a: {  	_ =	shalt  }
0x5b: {  	_ =	shalt  }
0x5c: {  	_ =	shalt  }
0x5d: {  	_ =	shalt  }
0x5e: {  	_ =	shalt  }
0x5f: {  	_ =	shalt  }
0x60: {  	_ =	shalt  }
0x61: {  	_ =	shalt  }
0x62: {  	_ =	shalt  }
0x63: {  	_ =	shalt  }
0x64: {  	_ =	shalt  }
0x65: {  	_ =	shalt  }
0x66: {  	_ =	shalt  }
0x67: {  	_ =	shalt  }
0x68: {  	_ =	shalt  }
0x69: {  	_ =	shalt  }
0x6a: {  	_ =	shalt  }
0x6b: {  	_ =	shalt  }
0x6c: {  	_ =	shalt  }
0x6d: {  	_ =	shalt  }
0x6e: {  	_ =	shalt  }
0x6f: {  	_ =	shalt  }
0x70: {  	_ =	shalt  }
0x71: {  	_ =	shalt  }
0x72: {  	_ =	shalt  }
0x73: {  	_ =	shalt  }
0x74: {  	_ =	shalt  }
0x75: {  	_ =	shalt  }
0x76: {  	_ =	shalt  }
0x77: {  	_ =	shalt  }
0x78: {  	_ =	shalt  }
0x79: {  	_ =	shalt  }
0x7a: {  	_ =	shalt  }
0x7b: {  	_ =	shalt  }
0x7c: {  	_ =	shalt  }
0x7d: {  	_ =	shalt  }
0x7e: {  	_ =	shalt  }
0x7f: {  	_ =	shalt  }
0x80: {  	_ =	shalt  }
0x81: {  	_ =	shalt  }
0x82: {  	_ =	shalt  }
0x83: {  	_ =	shalt  }
0x84: {  	_ =	shalt  }
0x85: {  	_ =	shalt  }
0x86: {  	_ =	shalt  }
0x87: {  	_ =	shalt  }
.Lfunc_end0:
.L_simem_size_0:
called_computation_lowered:
.L_overlay_start_0:
0x88: {  	s2 =	sld [smem:$0x3FD9]  }
0x89: {  	s3 =	sld [smem:$0x3FFE];
	_ =	sdelay $0x1  }
0x8a: {  	s1 =	srdreg.scid  }
0x8b: {  	s0 =	sand.u32 $0x1, s1  }
0x8c: {  	s17 =	sshll.u32 s0, $0xA;
	s2 =	sadd.s32 s3, s2  }
0x8d: {  	s2 =	sadd.s32 s2, s17  }
0x8e: {  	[smem:$0x3FC6] =	sst s2  }
0x8f: {  	_ = 	snop  }
0x90: {  	s2 =	sld [smem:$0x3FD0];
	(tm) =	ssettm $0x1  }
0x91: {  	s18 =	sld [smem:$0x3FFB];
	_ =	sdelay $0x3  }
0x92: {  	_ =	strace s18  }
0x93: {  	s3 =	sld [smem:$0x3FFC];
	_ =	sdelay $0x3  }
0x94: {  	_ =	strace s3  }
0x95: {  	s3 =	sld [smem:$0x3FFD];
	_ =	sdelay $0x3  }
0x96: {  	_ =	strace s3  }
0x97: {  	_ =	strace $0x8FFFFFFF  }
0x98: {  	s19 =	sld [smem:$0x3FDB];
	_ =	sdelay $0x1  }
0x99: {  	s4 =	simm.s32 $_scs_section_size  }
0x9a: {  	s5 =	simm.s32 $_size__tile_overlayer_lowered;
	s6 =	simm.s32 $_tile_overlayer_lowered  }
0x9b: {  	s22 =	simm.s32 $0x1BFF;
	s21 =	sshll.u32 s6, $0x1;
	s3 =	sadd.s32 s4, s19  }
0x9c: {  	s7 =	simm.s32 $0x0;
	s20 =	sshll.u32 s5, $0x1;
	s5 =	sadd.s32 s21, s3  }
0x9d: {  	[timem:s7], [sflag:s22] =	dma.local [hbm:s5], s20  }
0x9e: {  	_ =	swait.ge [sflag:s22], s20  }
0x9f: {  	s4 =	ssub.s32 $0x0, s20;
	[sflag:s22] =	ssyncset.done $0x0  }
0xa0: {  	[sflag:s22] =	ssyncadd.s32 s4;
	_ =	sdelay $0x1  }
0xa1: {  	s23 =	simm.s32 $0x1B8B  }
0xa2: {  	_ =	swait.ge [sflag:s23], $0x1  }
0xa3: {  	[sflag:s23] =	ssyncset.done $0x0  }
0xa4: {  	s25 =	simm.s32 $0x1B8E;
	s24 =	sld [smem:$0x3FFE];
	[sflag:s23] =	ssyncadd.s32 $0xFFFFFFFF  }
0xa5: {  	s26 =	simm.s32 $execute0_lowered;
	[smem:$0x3FD2] =	sst s25  }
0xa6: {  	s5 =	sshll.u32 s26, $0x1;
	_ =	strace $0x80000046;
	[dreg:$0x1] =	wrdreg $0xFFFFFFFF  }
0xa7: {  	s28 =	simm.s32 $_size_execute0_lowered;
	s3 =	sadd.s32 s3, s5;
	[dreg:$0x0] =	wrdreg $0x0  }
0xa8: {  	s5 =	sshll.u32 s28, $0x1;
	[dreg:$0x2] =	wrdreg s3  }
0xa9: {  	[dreg:$0x3] =	wrdreg s5  }
0xaa: {  	[dreg:$0x4] =	wrdreg $0xC0  }
0xab: {  	_ =	task [dreg:s7], $0x5FFFF  }
0xac: {  	[dreg:$0x1] =	wrdreg $0xFFFFFFFF  }
0xad: {  	[dreg:$0x0] =	wrdreg $0x60  }
0xae: {  	[dreg:$0x2] =	wrdreg s24  }
0xaf: {  	[dreg:$0x3] =	wrdreg s2  }
0xb0: {  	[dreg:$0x4] =	wrdreg $0x9  }
0xb1: {  	_ =	task.clear_ibuf [dreg:s7], $0x5FFFF;
	_ =	strace $0x90000046  }
0xb2: {  	s29 =	simm.s32 $0x9;
	_ =	strace $0x80000048  }
0xb3: {  	_ =	swait.ge [sflag:s29], $0x1  }
0xb4: {  	[sflag:s29] =	ssyncadd.s32 $0xFFFFFFFF  }
0xb5: {  	_ =	strace $0x90000048  }
0xb6: {  	_ =	sfence  }
0xb7: {  	s30 =	sld [smem:$0x0];
	_ =	sdelay $0x2  }
0xb8: {  	s31 =	sshll.u32 s1, $0xD;
	s1 =	sshrl.u32 s1, $0x2  }
0xb9: {  	s3 =	sand.u32 $0x4000, s31;
	s1 =	sadd.s32 s1, s30  }
0xba: {  	s0 =	sor.u32 s3, s0;
	s1 =	sshll.u32 s1, $0x11  }
0xbb: {  	s0 =	sor.u32 s1, s0  }
0xbc: {  	s0 =	sadd.s32 $0x8F2B, s0  }
0xbd: {  	[sflag:s0] =	ssyncadd.remote.s32 $0x1  }
0xbe: {  	_ =	sfence.sel $0xFFFF  }
0xbf: {  	[dreg:$0x0] =	wrdreg $0xFFFFFFFF;
	(pc) =	sbr.abs _section_cstart, $3  }
0xc0: {  	[dreg:$0x1] =	wrdreg $0xFFFFFFFF  }
0xc1: {  	_ =	task.clear_ibuf [dreg:s7], $0x2FFFF;
	_ =	strace $0x9FFFFFFF  }
0xc2: {  	(tm) =	ssettm $0x7FFFFFFF  }
0xc3: {  	_ =	shalt  }
tec
execute0_lowered:
.L_overlay_start_1:
0x0: {  	(tag) =	ssettag $0x1  }
0x1: {  	s1 =	srdreg.scid  }
0x2: {  	s0 =	stileid.u32;
	s4 =	rddreg [dreg:$0x0]  }
0x3: {  	s6 =	rddreg [dreg:$0x1];
	s2 =	simm.s32 $0x0;
	s10 =	simm.s32 $0x3000  }
0x4: {  	s11 =	simm.s32 $0x3180;
	s12 =	simm.s32 $0x1;
	s13 =	simm.s32 $0x0  }
0x5: {  	s3 =	sand.u32 $0x1, s1;
	s29 =	sshll.u32 s0, $0x1;
	s1 =	rddreg [dreg:$0x2]  }
0x6: {  	s30 =	sshrl.u32 s0, $0x2;
	[smem:$0x7FF] =	sst s2;
	s5 =	sor.u32 s3, s29  }
0x7: {  	s7 =	smul.u32 $0xC00, s30;
	_ =	strace $0x80000047;
	s8 =	sshll.u32 s5, $0x7  }
0x8: {  	s31 =	ssub.s32 $0x2, s3;
	s5 =	smul.u32 $0xC00, s5;
	s8 =	sand.u32 $0x380, s8  }
0x9: {  	s3 =	sadd.s32 $0xC00, s4;
	s9 =	sshrl.u32 s31, $0x1;
	s7 =	sor.u32 s7, s8  }
0xa: {  	s8 =	ssub.s32 s31, s9;
	s5 =	sadd.s32 s6, s5;
	s7 =	sshrl.u32 s7, $0x3  }
0xb: {  	s9 =	simm.s32 $0x400;
	s6 =	smax.u32 s8, $0x1;
	s7 =	sadd.s32 s7, s4  }
0xc: {  	s8 =	simm.s32 $0x80;
	s4 =	sadd.s32 $0x600, s7;
	s7 =	simm.s32 $0x2  }
.LBB2_1:
0xd: {  	[tilespmem:s2], [sflag:$0x2] =	stream.linear.gather [hbm4b:s3+s2], $0x3000, $0x38;
	[tilespmem:$0x9180] =	vst v63  }
0xe: {  	_ =	swait.ge [sflag:s7], $0x3000  }
0xf: {  	s14 =	simm.s32 $0x0;
	[sflag:s7] =	ssyncset.done $0x0  }
0x10: {  	s15 =	smul.u32 $0x3000, s14;
	[sflag:s7] =	ssyncadd.s32 $0xFFFFD000  }
0x11: {  	[tilespmem:s10], [sflag:$0x2] =	stream.strided.gather [hbm4b:s4+s8], $0x180, s9, s8, $0x38;
	[tilespmem:$0x9180] =	vst v63  }
0x12: {  	_ =	swait.ge [sflag:s7], $0x180  }
0x13: {  	s16 =	sand.u32 $0x380, s2;
	s15 =	sshra.s32 s15, $0x2;
	[sflag:s7] =	ssyncset.done $0x0  }
0x14: {  	s15 =	sor.u32 s16, s15;
	[sflag:s7] =	ssyncadd.s32 $0xFFFFFE80  }
0x15: {  	v0 =	vld [tilespmem:s15+$0x0]  }
0x16: {  	s14 =	smul.u32 $0x6000, s14;
	_ =	sdelay $0x1  }
0x17: {  	s14 =	sshra.s32 s14, $0x2  }
0x18: {  	s14 =	sor.u32 s16, s14  }
0x19: {  	[tilespmem:s14+$0x3180] =	vst v0  }
0x1a: {  	v0 =	vld [tilespmem:s15+$0x10];
	_ =	sdelay $0x4  }
0x1b: {  	[tilespmem:s14+$0x3190] =	vst v0  }
0x1c: {  	v0 =	vld [tilespmem:s15+$0x20];
	_ =	sdelay $0x4  }
0x1d: {  	[tilespmem:s14+$0x31A0] =	vst v0  }
0x1e: {  	v0 =	vld [tilespmem:s15+$0x30];
	_ =	sdelay $0x4  }
0x1f: {  	[tilespmem:s14+$0x31B0] =	vst v0  }
0x20: {  	v0 =	vld [tilespmem:s15+$0x40];
	_ =	sdelay $0x4  }
0x21: {  	[tilespmem:s14+$0x31C0] =	vst v0  }
0x22: {  	v0 =	vld [tilespmem:s15+$0x50];
	_ =	sdelay $0x4  }
0x23: {  	[tilespmem:s14+$0x31D0] =	vst v0  }
0x24: {  	v0 =	vld [tilespmem:s15+$0x60];
	_ =	sdelay $0x4  }
0x25: {  	[tilespmem:s14+$0x31E0] =	vst v0  }
0x26: {  	v0 =	vld [tilespmem:s15+$0x70];
	_ =	sdelay $0x4  }
0x27: {  	[tilespmem:s14+$0x31F0] =	vst v0  }
0x28: {  	v0 =	vld [tilespmem:s15+$0x400];
	_ =	sdelay $0x4  }
0x29: {  	[tilespmem:s14+$0x3580] =	vst v0  }
0x2a: {  	v0 =	vld [tilespmem:s15+$0x410];
	_ =	sdelay $0x4  }
0x2b: {  	[tilespmem:s14+$0x3590] =	vst v0  }
0x2c: {  	v0 =	vld [tilespmem:s15+$0x420];
	_ =	sdelay $0x4  }
0x2d: {  	[tilespmem:s14+$0x35A0] =	vst v0  }
0x2e: {  	v0 =	vld [tilespmem:s15+$0x430];
	_ =	sdelay $0x4  }
0x2f: {  	[tilespmem:s14+$0x35B0] =	vst v0  }
0x30: {  	v0 =	vld [tilespmem:s15+$0x440];
	_ =	sdelay $0x4  }
0x31: {  	[tilespmem:s14+$0x35C0] =	vst v0  }
0x32: {  	v0 =	vld [tilespmem:s15+$0x450];
	_ =	sdelay $0x4  }
0x33: {  	[tilespmem:s14+$0x35D0] =	vst v0  }
0x34: {  	v0 =	vld [tilespmem:s15+$0x460];
	_ =	sdelay $0x4  }
0x35: {  	[tilespmem:s14+$0x35E0] =	vst v0  }
0x36: {  	v0 =	vld [tilespmem:s15+$0x470];
	_ =	sdelay $0x4  }
0x37: {  	[tilespmem:s14+$0x35F0] =	vst v0  }
0x38: {  	v0 =	vld [tilespmem:s15+$0x800];
	_ =	sdelay $0x4  }
0x39: {  	[tilespmem:s14+$0x3980] =	vst v0  }
0x3a: {  	v0 =	vld [tilespmem:s15+$0x810];
	_ =	sdelay $0x4  }
0x3b: {  	[tilespmem:s14+$0x3990] =	vst v0  }
0x3c: {  	v0 =	vld [tilespmem:s15+$0x820];
	_ =	sdelay $0x4  }
0x3d: {  	[tilespmem:s14+$0x39A0] =	vst v0  }
0x3e: {  	v0 =	vld [tilespmem:s15+$0x830];
	_ =	sdelay $0x4  }
0x3f: {  	[tilespmem:s14+$0x39B0] =	vst v0  }
0x40: {  	v0 =	vld [tilespmem:s15+$0x840];
	_ =	sdelay $0x4  }
0x41: {  	[tilespmem:s14+$0x39C0] =	vst v0  }
0x42: {  	v0 =	vld [tilespmem:s15+$0x850];
	_ =	sdelay $0x4  }
0x43: {  	[tilespmem:s14+$0x39D0] =	vst v0  }
0x44: {  	v0 =	vld [tilespmem:s15+$0x860];
	_ =	sdelay $0x4  }
0x45: {  	[tilespmem:s14+$0x39E0] =	vst v0  }
0x46: {  	v0 =	vld [tilespmem:s15+$0x870];
	_ =	sdelay $0x4  }
0x47: {  	[tilespmem:s14+$0x39F0] =	vst v0  }
0x48: {  	v0 =	vld [tilespmem:$0x3000];
	_ =	sdelay $0x4  }
0x49: {  	[tilespmem:s14+$0x3D80] =	vst v0  }
0x4a: {  	v0 =	vld [tilespmem:$0x3010];
	_ =	sdelay $0x4  }
0x4b: {  	[tilespmem:s14+$0x3D90] =	vst v0  }
0x4c: {  	v0 =	vld [tilespmem:$0x3020];
	_ =	sdelay $0x4  }
0x4d: {  	[tilespmem:s14+$0x3DA0] =	vst v0  }
0x4e: {  	v0 =	vld [tilespmem:$0x3030];
	_ =	sdelay $0x4  }
0x4f: {  	[tilespmem:s14+$0x3DB0] =	vst v0  }
0x50: {  	v0 =	vld [tilespmem:$0x3040];
	_ =	sdelay $0x4  }
0x51: {  	[tilespmem:s14+$0x3DC0] =	vst v0  }
0x52: {  	v0 =	vld [tilespmem:$0x3050];
	_ =	sdelay $0x4  }
0x53: {  	[tilespmem:s14+$0x3DD0] =	vst v0  }
0x54: {  	v0 =	vld [tilespmem:$0x3060];
	_ =	sdelay $0x4  }
0x55: {  	[tilespmem:s14+$0x3DE0] =	vst v0  }
0x56: {  	v0 =	vld [tilespmem:$0x3070];
	_ =	sdelay $0x4  }
0x57: {  	[tilespmem:s14+$0x3DF0] =	vst v0  }
0x58: {  	v0 =	vld [tilespmem:$0x3080];
	_ =	sdelay $0x4  }
0x59: {  	[tilespmem:s14+$0x4180] =	vst v0  }
0x5a: {  	v0 =	vld [tilespmem:$0x3090];
	_ =	sdelay $0x4  }
0x5b: {  	[tilespmem:s14+$0x4190] =	vst v0  }
0x5c: {  	v0 =	vld [tilespmem:$0x30A0];
	_ =	sdelay $0x4  }
0x5d: {  	[tilespmem:s14+$0x41A0] =	vst v0  }
0x5e: {  	v0 =	vld [tilespmem:$0x30B0];
	_ =	sdelay $0x4  }
0x5f: {  	[tilespmem:s14+$0x41B0] =	vst v0  }
0x60: {  	v0 =	vld [tilespmem:$0x30C0];
	_ =	sdelay $0x4  }
0x61: {  	[tilespmem:s14+$0x41C0] =	vst v0  }
0x62: {  	v0 =	vld [tilespmem:$0x30D0];
	_ =	sdelay $0x4  }
0x63: {  	[tilespmem:s14+$0x41D0] =	vst v0  }
0x64: {  	v0 =	vld [tilespmem:$0x30E0];
	_ =	sdelay $0x4  }
0x65: {  	[tilespmem:s14+$0x41E0] =	vst v0  }
0x66: {  	v0 =	vld [tilespmem:$0x30F0];
	_ =	sdelay $0x4  }
0x67: {  	[tilespmem:s14+$0x41F0] =	vst v0  }
0x68: {  	v0 =	vld [tilespmem:$0x3100];
	_ =	sdelay $0x4  }
0x69: {  	[tilespmem:s14+$0x4580] =	vst v0  }
0x6a: {  	v0 =	vld [tilespmem:$0x3110];
	_ =	sdelay $0x4  }
0x6b: {  	[tilespmem:s14+$0x4590] =	vst v0  }
0x6c: {  	v0 =	vld [tilespmem:$0x3120];
	_ =	sdelay $0x4  }
0x6d: {  	[tilespmem:s14+$0x45A0] =	vst v0  }
0x6e: {  	v0 =	vld [tilespmem:$0x3130];
	_ =	sdelay $0x4  }
0x6f: {  	[tilespmem:s14+$0x45B0] =	vst v0  }
0x70: {  	v0 =	vld [tilespmem:$0x3140];
	_ =	sdelay $0x4  }
0x71: {  	[tilespmem:s14+$0x45C0] =	vst v0  }
0x72: {  	v0 =	vld [tilespmem:$0x3150];
	_ =	sdelay $0x4  }
0x73: {  	[tilespmem:s14+$0x45D0] =	vst v0  }
0x74: {  	v0 =	vld [tilespmem:$0x3160];
	_ =	sdelay $0x4  }
0x75: {  	[tilespmem:s14+$0x45E0] =	vst v0  }
0x76: {  	v0 =	vld [tilespmem:$0x3170]  }
0x77: {  	s18 =	simm.s32 $0x0;
	s16 =	simm.s32 $0x2;
	s15 =	simm.s32 $0x0  }
.LBB2_2:
0x78: {  	p0 =	sne.s32 s16, $0x1F;
	s17 =	smul.u32 $0x3000, s18  }
0x79: {  	s15 =	sadd.s32 $0x80, s15  }
0x7a: {  	s19 =	sand.u32 $0x380, s15;
	s17 =	sshra.s32 s17, $0x2  }
0x7b: {  	s17 =	sor.u32 s19, s17;
	[tilespmem:s14+$0x45F0] =	vst v0  }
0x7c: {  	v0 =	vld [tilespmem:s17+$0x0]  }
0x7d: {  	s14 =	smul.u32 $0x6000, s18;
	_ =	sdelay $0x1  }
0x7e: {  	s14 =	sshra.s32 s14, $0x2  }
0x7f: {  	s14 =	sor.u32 s19, s14  }
0x80: {  	[tilespmem:s14+$0x3180] =	vst v0  }
0x81: {  	v0 =	vld [tilespmem:s17+$0x10];
	_ =	sdelay $0x4  }
0x82: {  	[tilespmem:s14+$0x3190] =	vst v0  }
0x83: {  	v0 =	vld [tilespmem:s17+$0x20];
	_ =	sdelay $0x4  }
0x84: {  	[tilespmem:s14+$0x31A0] =	vst v0  }
0x85: {  	v0 =	vld [tilespmem:s17+$0x30];
	_ =	sdelay $0x4  }
0x86: {  	[tilespmem:s14+$0x31B0] =	vst v0  }
0x87: {  	v0 =	vld [tilespmem:s17+$0x40];
	_ =	sdelay $0x4  }
0x88: {  	[tilespmem:s14+$0x31C0] =	vst v0  }
0x89: {  	v0 =	vld [tilespmem:s17+$0x50];
	_ =	sdelay $0x4  }
0x8a: {  	[tilespmem:s14+$0x31D0] =	vst v0  }
0x8b: {  	v0 =	vld [tilespmem:s17+$0x60];
	_ =	sdelay $0x4  }
0x8c: {  	[tilespmem:s14+$0x31E0] =	vst v0  }
0x8d: {  	v0 =	vld [tilespmem:s17+$0x70];
	_ =	sdelay $0x4  }
0x8e: {  	[tilespmem:s14+$0x31F0] =	vst v0  }
0x8f: {  	v0 =	vld [tilespmem:s17+$0x400];
	_ =	sdelay $0x4  }
0x90: {  	[tilespmem:s14+$0x3580] =	vst v0  }
0x91: {  	v0 =	vld [tilespmem:s17+$0x410];
	_ =	sdelay $0x4  }
0x92: {  	[tilespmem:s14+$0x3590] =	vst v0  }
0x93: {  	v0 =	vld [tilespmem:s17+$0x420];
	_ =	sdelay $0x4  }
0x94: {  	[tilespmem:s14+$0x35A0] =	vst v0  }
0x95: {  	v0 =	vld [tilespmem:s17+$0x430];
	_ =	sdelay $0x4  }
0x96: {  	[tilespmem:s14+$0x35B0] =	vst v0  }
0x97: {  	v0 =	vld [tilespmem:s17+$0x440];
	_ =	sdelay $0x4  }
0x98: {  	[tilespmem:s14+$0x35C0] =	vst v0  }
0x99: {  	v0 =	vld [tilespmem:s17+$0x450];
	_ =	sdelay $0x4  }
0x9a: {  	[tilespmem:s14+$0x35D0] =	vst v0  }
0x9b: {  	v0 =	vld [tilespmem:s17+$0x460];
	_ =	sdelay $0x4  }
0x9c: {  	[tilespmem:s14+$0x35E0] =	vst v0  }
0x9d: {  	v0 =	vld [tilespmem:s17+$0x470];
	_ =	sdelay $0x4  }
0x9e: {  	[tilespmem:s14+$0x35F0] =	vst v0  }
0x9f: {  	v0 =	vld [tilespmem:s17+$0x800];
	_ =	sdelay $0x4  }
0xa0: {  	[tilespmem:s14+$0x3980] =	vst v0  }
0xa1: {  	v0 =	vld [tilespmem:s17+$0x810];
	_ =	sdelay $0x4  }
0xa2: {  	[tilespmem:s14+$0x3990] =	vst v0  }
0xa3: {  	v0 =	vld [tilespmem:s17+$0x820];
	_ =	sdelay $0x4  }
0xa4: {  	[tilespmem:s14+$0x39A0] =	vst v0  }
0xa5: {  	v0 =	vld [tilespmem:s17+$0x830];
	_ =	sdelay $0x4  }
0xa6: {  	[tilespmem:s14+$0x39B0] =	vst v0  }
0xa7: {  	v0 =	vld [tilespmem:s17+$0x840];
	_ =	sdelay $0x4  }
0xa8: {  	[tilespmem:s14+$0x39C0] =	vst v0  }
0xa9: {  	v0 =	vld [tilespmem:s17+$0x850];
	_ =	sdelay $0x4  }
0xaa: {  	[tilespmem:s14+$0x39D0] =	vst v0  }
0xab: {  	v0 =	vld [tilespmem:s17+$0x860];
	_ =	sdelay $0x4  }
0xac: {  	[tilespmem:s14+$0x39E0] =	vst v0  }
0xad: {  	v0 =	vld [tilespmem:s17+$0x870];
	_ =	sdelay $0x4  }
0xae: {  	[tilespmem:s14+$0x39F0] =	vst v0  }
0xaf: {  	v0 =	vld [tilespmem:$0x3000];
	_ =	sdelay $0x4  }
0xb0: {  	[tilespmem:s14+$0x3D80] =	vst v0  }
0xb1: {  	v0 =	vld [tilespmem:$0x3010];
	_ =	sdelay $0x4  }
0xb2: {  	[tilespmem:s14+$0x3D90] =	vst v0  }
0xb3: {  	v0 =	vld [tilespmem:$0x3020];
	_ =	sdelay $0x4  }
0xb4: {  	[tilespmem:s14+$0x3DA0] =	vst v0  }
0xb5: {  	v0 =	vld [tilespmem:$0x3030];
	_ =	sdelay $0x4  }
0xb6: {  	[tilespmem:s14+$0x3DB0] =	vst v0  }
0xb7: {  	v0 =	vld [tilespmem:$0x3040];
	_ =	sdelay $0x4  }
0xb8: {  	[tilespmem:s14+$0x3DC0] =	vst v0  }
0xb9: {  	v0 =	vld [tilespmem:$0x3050];
	_ =	sdelay $0x4  }
0xba: {  	[tilespmem:s14+$0x3DD0] =	vst v0  }
0xbb: {  	v0 =	vld [tilespmem:$0x3060];
	_ =	sdelay $0x4  }
0xbc: {  	[tilespmem:s14+$0x3DE0] =	vst v0  }
0xbd: {  	v0 =	vld [tilespmem:$0x3070];
	_ =	sdelay $0x4  }
0xbe: {  	[tilespmem:s14+$0x3DF0] =	vst v0  }
0xbf: {  	v0 =	vld [tilespmem:$0x3080];
	_ =	sdelay $0x4  }
0xc0: {  	[tilespmem:s14+$0x4180] =	vst v0  }
0xc1: {  	v0 =	vld [tilespmem:$0x3090];
	_ =	sdelay $0x4  }
0xc2: {  	[tilespmem:s14+$0x4190] =	vst v0  }
0xc3: {  	v0 =	vld [tilespmem:$0x30A0];
	_ =	sdelay $0x4  }
0xc4: {  	[tilespmem:s14+$0x41A0] =	vst v0  }
0xc5: {  	v0 =	vld [tilespmem:$0x30B0];
	_ =	sdelay $0x4  }
0xc6: {  	[tilespmem:s14+$0x41B0] =	vst v0  }
0xc7: {  	v0 =	vld [tilespmem:$0x30C0];
	_ =	sdelay $0x4  }
0xc8: {  	[tilespmem:s14+$0x41C0] =	vst v0  }
0xc9: {  	v0 =	vld [tilespmem:$0x30D0];
	_ =	sdelay $0x4  }
0xca: {  	[tilespmem:s14+$0x41D0] =	vst v0  }
0xcb: {  	v0 =	vld [tilespmem:$0x30E0];
	_ =	sdelay $0x4  }
0xcc: {  	[tilespmem:s14+$0x41E0] =	vst v0  }
0xcd: {  	v0 =	vld [tilespmem:$0x30F0];
	_ =	sdelay $0x4  }
0xce: {  	[tilespmem:s14+$0x41F0] =	vst v0  }
0xcf: {  	v0 =	vld [tilespmem:$0x3100];
	_ =	sdelay $0x4  }
0xd0: {  	[tilespmem:s14+$0x4580] =	vst v0  }
0xd1: {  	v0 =	vld [tilespmem:$0x3110];
	_ =	sdelay $0x4  }
0xd2: {  	[tilespmem:s14+$0x4590] =	vst v0  }
0xd3: {  	v0 =	vld [tilespmem:$0x3120];
	_ =	sdelay $0x4  }
0xd4: {  	[tilespmem:s14+$0x45A0] =	vst v0  }
0xd5: {  	v0 =	vld [tilespmem:$0x3130];
	_ =	sdelay $0x4  }
0xd6: {  	[tilespmem:s14+$0x45B0] =	vst v0  }
0xd7: {  	v0 =	vld [tilespmem:$0x3140];
	_ =	sdelay $0x4  }
0xd8: {  	[tilespmem:s14+$0x45C0] =	vst v0  }
0xd9: {  	v0 =	vld [tilespmem:$0x3150];
	_ =	sdelay $0x4  }
0xda: {  	[tilespmem:s14+$0x45D0] =	vst v0  }
0xdb: {  	v0 =	vld [tilespmem:$0x3160];
	_ =	sdelay $0x2  }
.Ltmp0:
0xdc: {  	(pc) =	sbr.rel @p0 .LBB2_2-.Ltmp0, $4  }
0xdd: {  	_ = 	snop  }
0xde: {  	[tilespmem:s14+$0x45E0] =	vst v0  }
0xdf: {  	v0 =	vld [tilespmem:$0x3170]  }
0xe0: {  	s18 =	sshrl.u32 s16, $0x3;
	s16 =	sadd.s32 $0x1, s16  }
0xe1: {  	s16 =	smul.u32 $0x3000, s18  }
0xe2: {  	s15 =	sadd.s32 $0x80, s15  }
0xe3: {  	s15 =	sand.u32 $0x380, s15;
	s16 =	sshra.s32 s16, $0x2  }
0xe4: {  	s16 =	sor.u32 s15, s16;
	[tilespmem:s14+$0x45F0] =	vst v0  }
0xe5: {  	v0 =	vld [tilespmem:s16+$0x0]  }
0xe6: {  	s31 =	smul.u32 $0x6000, s18;
	_ =	sdelay $0x1  }
0xe7: {  	s14 =	sshra.s32 s31, $0x2  }
0xe8: {  	s14 =	sor.u32 s15, s14  }
0xe9: {  	[tilespmem:s14+$0x3180] =	vst v0  }
0xea: {  	v0 =	vld [tilespmem:s16+$0x10];
	_ =	sdelay $0x4  }
0xeb: {  	[tilespmem:s14+$0x3190] =	vst v0  }
0xec: {  	v0 =	vld [tilespmem:s16+$0x20];
	_ =	sdelay $0x4  }
0xed: {  	[tilespmem:s14+$0x31A0] =	vst v0  }
0xee: {  	v0 =	vld [tilespmem:s16+$0x30];
	_ =	sdelay $0x4  }
0xef: {  	[tilespmem:s14+$0x31B0] =	vst v0  }
0xf0: {  	v0 =	vld [tilespmem:s16+$0x40];
	_ =	sdelay $0x4  }
0xf1: {  	[tilespmem:s14+$0x31C0] =	vst v0  }
0xf2: {  	v0 =	vld [tilespmem:s16+$0x50];
	_ =	sdelay $0x4  }
0xf3: {  	[tilespmem:s14+$0x31D0] =	vst v0  }
0xf4: {  	v0 =	vld [tilespmem:s16+$0x60];
	_ =	sdelay $0x4  }
0xf5: {  	[tilespmem:s14+$0x31E0] =	vst v0  }
0xf6: {  	v0 =	vld [tilespmem:s16+$0x70];
	_ =	sdelay $0x4  }
0xf7: {  	[tilespmem:s14+$0x31F0] =	vst v0  }
0xf8: {  	v0 =	vld [tilespmem:s16+$0x400];
	_ =	sdelay $0x4  }
0xf9: {  	[tilespmem:s14+$0x3580] =	vst v0  }
0xfa: {  	v0 =	vld [tilespmem:s16+$0x410];
	_ =	sdelay $0x4  }
0xfb: {  	[tilespmem:s14+$0x3590] =	vst v0  }
0xfc: {  	v0 =	vld [tilespmem:s16+$0x420];
	_ =	sdelay $0x4  }
0xfd: {  	[tilespmem:s14+$0x35A0] =	vst v0  }
0xfe: {  	v0 =	vld [tilespmem:s16+$0x430];
	_ =	sdelay $0x4  }
0xff: {  	[tilespmem:s14+$0x35B0] =	vst v0  }
0x100: {  	v0 =	vld [tilespmem:s16+$0x440];
	_ =	sdelay $0x4  }
0x101: {  	[tilespmem:s14+$0x35C0] =	vst v0  }
0x102: {  	v0 =	vld [tilespmem:s16+$0x450];
	_ =	sdelay $0x4  }
0x103: {  	[tilespmem:s14+$0x35D0] =	vst v0  }
0x104: {  	v0 =	vld [tilespmem:s16+$0x460];
	_ =	sdelay $0x4  }
0x105: {  	[tilespmem:s14+$0x35E0] =	vst v0  }
0x106: {  	v0 =	vld [tilespmem:s16+$0x470];
	_ =	sdelay $0x4  }
0x107: {  	[tilespmem:s14+$0x35F0] =	vst v0  }
0x108: {  	v0 =	vld [tilespmem:s16+$0x800];
	_ =	sdelay $0x4  }
0x109: {  	[tilespmem:s14+$0x3980] =	vst v0  }
0x10a: {  	v0 =	vld [tilespmem:s16+$0x810];
	_ =	sdelay $0x4  }
0x10b: {  	[tilespmem:s14+$0x3990] =	vst v0  }
0x10c: {  	v0 =	vld [tilespmem:s16+$0x820];
	_ =	sdelay $0x4  }
0x10d: {  	[tilespmem:s14+$0x39A0] =	vst v0  }
0x10e: {  	v0 =	vld [tilespmem:s16+$0x830];
	_ =	sdelay $0x4  }
0x10f: {  	[tilespmem:s14+$0x39B0] =	vst v0  }
0x110: {  	v0 =	vld [tilespmem:s16+$0x840];
	_ =	sdelay $0x4  }
0x111: {  	[tilespmem:s14+$0x39C0] =	vst v0  }
0x112: {  	v0 =	vld [tilespmem:s16+$0x850];
	_ =	sdelay $0x4  }
0x113: {  	[tilespmem:s14+$0x39D0] =	vst v0  }
0x114: {  	v0 =	vld [tilespmem:s16+$0x860];
	_ =	sdelay $0x4  }
0x115: {  	[tilespmem:s14+$0x39E0] =	vst v0  }
0x116: {  	v0 =	vld [tilespmem:s16+$0x870];
	_ =	sdelay $0x4  }
0x117: {  	[tilespmem:s14+$0x39F0] =	vst v0  }
0x118: {  	v0 =	vld [tilespmem:$0x3000];
	_ =	sdelay $0x4  }
0x119: {  	[tilespmem:s14+$0x3D80] =	vst v0  }
0x11a: {  	v0 =	vld [tilespmem:$0x3010];
	_ =	sdelay $0x4  }
0x11b: {  	[tilespmem:s14+$0x3D90] =	vst v0  }
0x11c: {  	v0 =	vld [tilespmem:$0x3020];
	_ =	sdelay $0x4  }
0x11d: {  	[tilespmem:s14+$0x3DA0] =	vst v0  }
0x11e: {  	v0 =	vld [tilespmem:$0x3030];
	_ =	sdelay $0x4  }
0x11f: {  	[tilespmem:s14+$0x3DB0] =	vst v0  }
0x120: {  	v0 =	vld [tilespmem:$0x3040];
	_ =	sdelay $0x4  }
0x121: {  	[tilespmem:s14+$0x3DC0] =	vst v0  }
0x122: {  	v0 =	vld [tilespmem:$0x3050];
	_ =	sdelay $0x4  }
0x123: {  	[tilespmem:s14+$0x3DD0] =	vst v0  }
0x124: {  	v0 =	vld [tilespmem:$0x3060];
	_ =	sdelay $0x4  }
0x125: {  	[tilespmem:s14+$0x3DE0] =	vst v0  }
0x126: {  	v0 =	vld [tilespmem:$0x3070];
	_ =	sdelay $0x4  }
0x127: {  	[tilespmem:s14+$0x3DF0] =	vst v0  }
0x128: {  	v0 =	vld [tilespmem:$0x3080];
	_ =	sdelay $0x4  }
0x129: {  	[tilespmem:s14+$0x4180] =	vst v0  }
0x12a: {  	v0 =	vld [tilespmem:$0x3090];
	_ =	sdelay $0x4  }
0x12b: {  	[tilespmem:s14+$0x4190] =	vst v0  }
0x12c: {  	v0 =	vld [tilespmem:$0x30A0];
	_ =	sdelay $0x4  }
0x12d: {  	[tilespmem:s14+$0x41A0] =	vst v0  }
0x12e: {  	v0 =	vld [tilespmem:$0x30B0];
	_ =	sdelay $0x4  }
0x12f: {  	[tilespmem:s14+$0x41B0] =	vst v0  }
0x130: {  	v0 =	vld [tilespmem:$0x30C0];
	_ =	sdelay $0x4  }
0x131: {  	[tilespmem:s14+$0x41C0] =	vst v0  }
0x132: {  	v0 =	vld [tilespmem:$0x30D0];
	_ =	sdelay $0x4  }
0x133: {  	[tilespmem:s14+$0x41D0] =	vst v0  }
0x134: {  	v0 =	vld [tilespmem:$0x30E0];
	_ =	sdelay $0x4  }
0x135: {  	[tilespmem:s14+$0x41E0] =	vst v0  }
0x136: {  	v0 =	vld [tilespmem:$0x30F0];
	_ =	sdelay $0x4  }
0x137: {  	[tilespmem:s14+$0x41F0] =	vst v0  }
0x138: {  	v0 =	vld [tilespmem:$0x3100];
	_ =	sdelay $0x4  }
0x139: {  	[tilespmem:s14+$0x4580] =	vst v0  }
0x13a: {  	v0 =	vld [tilespmem:$0x3110];
	_ =	sdelay $0x4  }
0x13b: {  	[tilespmem:s14+$0x4590] =	vst v0  }
0x13c: {  	v0 =	vld [tilespmem:$0x3120];
	_ =	sdelay $0x4  }
0x13d: {  	[tilespmem:s14+$0x45A0] =	vst v0  }
0x13e: {  	v0 =	vld [tilespmem:$0x3130];
	_ =	sdelay $0x4  }
0x13f: {  	[tilespmem:s14+$0x45B0] =	vst v0  }
0x140: {  	v0 =	vld [tilespmem:$0x3140];
	_ =	sdelay $0x4  }
0x141: {  	[tilespmem:s14+$0x45C0] =	vst v0  }
0x142: {  	v0 =	vld [tilespmem:$0x3150];
	_ =	sdelay $0x4  }
0x143: {  	[tilespmem:s14+$0x45D0] =	vst v0  }
0x144: {  	v0 =	vld [tilespmem:$0x3160];
	_ =	sdelay $0x4  }
0x145: {  	[tilespmem:s14+$0x45E0] =	vst v0  }
0x146: {  	v0 =	vld [tilespmem:$0x3170];
	_ =	sdelay $0x2  }
0x147: {  	s13 =	sadd.s32 $0x1, s13  }
0x148: {  	p0 =	sne.s32 s13, s6  }
.Ltmp1:
0x149: {  	[tilespmem:s14+$0x45F0] =	vst v0;
	(pc) =	sbr.rel @p0 .LBB2_1-.Ltmp1, $4  }
0x14a: {  	[hbm4b:s5+s2] =	stream.linear.scatter [tilespmem:s11], [sflag:$0x1], $0x6000, $0x38;
	[tilespmem:$0x9180] =	vst v63  }
0x14b: {  	_ =	swait.ge [sflag:s12], $0x6000  }
0x14c: {  	[sflag:s12] =	ssyncset.done $0x0  }
0x14d: {  	[sflag:s12] =	ssyncadd.s32 $0xFFFFA000  }
0x14e: {  	_ =	sfence.sel $0x180000  }
0x14f: {  	[bflag:$0x0] =	sbarrier.arrive $0xFFFF  }
0x150: {  	p0 =	sne.s32 s0, $0x0;
	_ =	strace $0x90000047  }
0x151: {  	s0 =	sadd.s32 @!p0 $0x100000, s1;
	[bflag:$0x2] =	sbarrier.arrive $0xFFFF  }
0x152: {  	[sflag:s0] =	ssyncadd.tile.s32 @!p0 $0x1;
	_ =	shalt  }
.Lfunc_end2:
_tile_overlayer_lowered:
.L_overlay_start_2:
0x153: {  	(tag) =	ssettag $0x2  }
0x154: {  	s0 =	rddreg [dreg:$0x0];
	s2 =	stileid.u32  }
0x155: {  	s1 =	rddreg [dreg:$0x1];
	p0 =	sne.s32 s2, $0x0  }
0x156: {  	s3 =	rddreg [dreg:$0x2];
	[bflag:$0x3] =	sbarrier.arrive $0xFFFF;
	s2 =	simm.s32 @!p0 $0x1C02  }
0x157: {  	[timem:s3], [sflag:s2] =	dma.local @!p0 [hbm:s0], s1  }
0x158: {  	s0 =	simm.s32 @!p0 $0x2  }
0x159: {  	_ =	swait.ge @!p0 [sflag:s0], s1  }
0x15a: {  	s1 =	ssub.s32 @!p0 $0x0, s1;
	[sflag:s0] =	ssyncset.done @!p0 $0x0  }
0x15b: {  	[sflag:s0] =	ssyncadd.s32 @!p0 s1  }
0x15c: {  	[bflag:$0x3] =	sbarrier.arrive $0xFFFF  }
0x15d: {  	_ =	shalt  }

</sc_bundles>
